<compile_context>
chip_gen: v7x
topology: tpu7x:2x2x1
jax: 0.10.2.dev20260603
libtpu: 0.0.44.dev20260713+nightly
codegen_flags: <defaults>
</compile_context>

<pallas_src>
import jax
import jax.numpy as jnp
from jax import lax
from jax.experimental import pallas as pl
from jax.experimental.pallas import tpu as pltpu
from jax.experimental.pallas import tpu_sc as plsc

B = 8
N = 16384
NPOINT = 2048
NC = 2
NS = 16
L = 16
SHARDS = 4
NSHARD = N // SHARDS
SLICES = NSHARD // L
BIGIDX = 2**30


def _fps_body(pts_hbm, out_hbm, xyz, mind, pub, mrg, idxbuf, board):
    c = lax.axis_index("c")
    s = lax.axis_index("s")
    batch = c * (NS // SHARDS) + s // SHARDS
    shard = s % SHARDS
    base = shard * NSHARD
    rowbase = (s // SHARDS) * SHARDS

    pltpu.sync_copy(pts_hbm.at[batch], xyz)

    iota = lax.broadcasted_iota(jnp.int32, (L,), 0)
    big = jnp.full((L,), 1e10, dtype=jnp.float32)
    for i in range(SLICES):
        mind[pl.ds(i * L, L)] = big

    def step(t, carry):
        g_idx, stage = carry
        gvec = jnp.full((L,), g_idx, jnp.int32)
        stage = jnp.where(iota == lax.rem(t, L), gvec, stage)

        @pl.when(lax.rem(t, L) == L - 1)
        def _():
            idxbuf[pl.ds(pl.multiple_of(t - (L - 1), L), L)] = stage

        a = pl.multiple_of(g_idx & jnp.int32(-L), L)
        lvec = jnp.full((L,), g_idx - a, jnp.int32)
        cx = xyz[0, pl.ds(a, L)].at[lvec].get(mode="promise_in_bounds")
        cy = xyz[1, pl.ds(a, L)].at[lvec].get(mode="promise_in_bounds")
        cz = xyz[2, pl.ds(a, L)].at[lvec].get(mode="promise_in_bounds")

        bv0 = jnp.full((L,), -1.0, jnp.float32)

        @plsc.parallel_loop(0, SLICES, 1, unroll=8,
                            carry=(bv0, jnp.zeros((L,), jnp.int32)))
        def scan(i, carry):
            bv, bi = carry
            off = pl.multiple_of(base + i * L, L)
            dx = xyz[0, pl.ds(off, L)] - cx
            acc = dx * dx
            dy = xyz[1, pl.ds(off, L)] - cy
            acc = acc + dy * dy
            dz = xyz[2, pl.ds(off, L)] - cz
            acc = acc + dz * dz
            moff = pl.multiple_of(i * L, L)
            m = jnp.minimum(mind[pl.ds(moff, L)], acc)
            mind[pl.ds(moff, L)] = m
            upd = m > bv
            gidx = off + iota
            bv = jnp.where(upd, m, bv)
            bi = jnp.where(upd, gidx, bi)
            return bv, bi

        bv, bi = scan

        pub[pl.ds(0, L)] = bi
        pub[pl.ds(L, L)] = plsc.bitcast(bv, jnp.int32)
        parity = lax.rem(t, 2)
        woff = pl.multiple_of((parity * NS + s) * 2 * L, 2 * L)
        pltpu.sync_copy(pub, board.at[pl.ds(woff, 2 * L)])
        plsc.subcore_barrier()
        roff = pl.multiple_of((parity * NS + rowbase) * 2 * L, 2 * L)
        pltpu.sync_copy(board.at[pl.ds(roff, SHARDS * 2 * L)], mrg)

        mv = mrg[pl.ds(L, L)]
        mi = mrg[pl.ds(0, L)]
        for k in range(1, SHARDS):
            kv = mrg[pl.ds(k * 2 * L + L, L)]
            ki = mrg[pl.ds(k * 2 * L, L)]
            take = (kv > mv) | ((kv == mv) & (ki < mi))
            mv = jnp.where(take, kv, mv)
            mi = jnp.where(take, ki, mi)
        top = jnp.max(mv)
        cand = jnp.where(mv == top, mi, jnp.full((L,), BIGIDX, jnp.int32))
        return jnp.min(cand), stage

    lax.fori_loop(0, NPOINT, step,
                  (jnp.int32(0), jnp.zeros((L,), jnp.int32)))

    @pl.when(shard == 0)
    def _():
        pltpu.sync_copy(idxbuf, out_hbm.at[batch])


def kernel(points, features, npoint):
    del features
    pts_t = jnp.transpose(points, (0, 2, 1))
    fps = pl.kernel(
        _fps_body,
        out_type=jax.ShapeDtypeStruct((B, NPOINT), jnp.int32),
        mesh=plsc.VectorSubcoreMesh(core_axis_name="c", subcore_axis_name="s"),
        compiler_params=pltpu.CompilerParams(needs_layout_passes=False),
        scratch_types=[
            pltpu.VMEM((3, N), jnp.float32),
            pltpu.VMEM((NSHARD,), jnp.float32),
            pltpu.VMEM((2 * L,), jnp.int32),
            pltpu.VMEM((SHARDS * 2 * L,), jnp.int32),
            pltpu.VMEM((NPOINT,), jnp.int32),
            pltpu.VMEM_SHARED((2 * NS * 2 * L,), jnp.int32),
        ],
    )(pts_t)
    zero = (jnp.asarray(npoint) - jnp.asarray(npoint)).astype(jnp.int32)
    return fps + zero

# --- scband reference (transcript-rebuilt; emitter-appended) ---
"""Pipeline reference for scband-dfps-sampler-5892695130399 (READ-ONLY COPY).

The authoritative reference and input builder live on the scoring server;
editing this copy changes nothing except your own understanding.
"""

import jax, jax.numpy as jnp
import numpy as np


def furthest_point_sample(points, npoint):
    """Iterative farthest point sampling on xyz coordinates.

    points: float32 [B, N, 3]
    returns: int32 [B, npoint] indices, starting from index 0 (CUDA FPS convention).
    """
    B, N, _ = points.shape
    batch_ar = jnp.arange(B)

    def body(carry, _):
        min_d, farthest = carry  # min_d: [B, N], farthest: [B]
        centroid = points[batch_ar, farthest]  # [B, 3]
        d = jnp.sum((points - centroid[:, None, :]) ** 2, axis=-1)  # [B, N]
        min_d = jnp.minimum(min_d, d)
        nxt = jnp.argmax(min_d, axis=-1).astype(jnp.int32)  # [B]
        return (min_d, nxt), farthest

    init = (jnp.full((B, N), 1e10, dtype=points.dtype),
            jnp.zeros((B,), dtype=jnp.int32))
    npoint_static = 2048
    _, idxs = jax.lax.scan(body, init, xs=None, length=npoint_static)  # idxs: [npoint, B]
    zero = (jnp.asarray(npoint) - jnp.asarray(npoint)).astype(jnp.int32)
    return jnp.transpose(idxs) + zero  # [B, npoint]


def setup_inputs(seed: int = 0) -> dict:
    key = jax.random.key(seed)
    k1, k2 = jax.random.split(key)
    points = jax.random.normal(k1, (8, 16384, 3), dtype=jnp.float32)
    features = jax.random.normal(k2, (8, 64, 16384), dtype=jnp.float32)
    return {"points": points, "features": features, "npoint": 2048}


def reference(points, features, npoint):
    # D-FPS ignores features; samples purely on Euclidean distance of xyz.
    fps_idx = furthest_point_sample(points, npoint)
    return fps_idx

if __name__ == "__main__":
    import jax
    _d = setup_inputs()
    print(jax.jit(kernel)(*tuple(_d.values())))

</pallas_src>

<mosaic_0001>
#map = affine_map<(d0, d1) -> (0, 0, 0)>
#map1 = affine_map<(d0, d1) -> (0, 0)>
module attributes {stable_mosaic.version = 14 : i64} {
  func.func @_fps_body(%arg0: i32, %arg1: i32, %arg2: memref<8x3x16384xf32, #tpu.memory_space<hbm>>, %arg3: memref<8x2048xi32, #tpu.memory_space<hbm>>, %arg4: memref<3x16384xf32, #tpu.memory_space<vmem>>, %arg5: memref<4096xf32, #tpu.memory_space<vmem>>, %arg6: memref<32xi32, #tpu.memory_space<vmem>>, %arg7: memref<128xi32, #tpu.memory_space<vmem>>, %arg8: memref<2048xi32, #tpu.memory_space<vmem>>, %arg9: memref<1024xi32, #tpu.memory_space<vmem_shared>>) attributes {dimension_semantics = [#tpu.dimension_semantics<core_parallel>, #tpu.dimension_semantics<subcore_parallel>], iteration_bounds = array<i64: 2, 16>, scalar_prefetch = 0 : i64, scratch_operands = 6 : i64, tpu.core_type = #tpu.core_type<sc_vector_subcore>, window_params = [{transform_indices = #map}, {transform_indices = #map1}]} {
    %mul3A = arith.constant 4 : i32
    %mul3A_0 = arith.muli %arg0, %mul3A : i32
    %jit3A = arith.constant 4 : i32
    %div3A = arith.divsi %arg1, %jit3A : i32
    %sign3A = arith.constant 0 : i32
    %sign3A_1 = arith.cmpi sgt, %arg1, %sign3A : i32
    %sign3A_2 = arith.extui %sign3A_1 : i1 to i32
    %sign3A_3 = arith.constant 0 : i32
    %sign3A_4 = arith.cmpi slt, %arg1, %sign3A_3 : i32
    %sign3A_5 = arith.extui %sign3A_4 : i1 to i32
    %sign3A_6 = arith.subi %sign3A_2, %sign3A_5 : i32
    %sign3A_7 = arith.constant 0 : i32
    %sign3A_8 = arith.cmpi sgt, %jit3A, %sign3A_7 : i32
    %sign3A_9 = arith.extui %sign3A_8 : i1 to i32
    %sign3A_10 = arith.constant 0 : i32
    %sign3A_11 = arith.cmpi slt, %jit3A, %sign3A_10 : i32
    %sign3A_12 = arith.extui %sign3A_11 : i1 to i32
    %sign3A_13 = arith.subi %sign3A_9, %sign3A_12 : i32
    %ne3A = arith.cmpi ne, %sign3A_6, %sign3A_13 : i32
    %rem3A = arith.remsi %arg1, %jit3A : i32
    %ne3A_14 = arith.constant 0 : i32
    %ne3A_15 = arith.cmpi ne, %rem3A, %ne3A_14 : i32
    %and3A = arith.andi %ne3A, %ne3A_15 : i1
    %sub3A = arith.constant 1 : i32
    %sub3A_16 = arith.subi %div3A, %sub3A : i32
    %select_n3A = arith.select %and3A, %sub3A_16, %div3A : i32
    %add3A = arith.addi %mul3A_0, %select_n3A : i32
    %jit3A_17 = arith.constant 4 : i32
    %eq3A = arith.constant 0 : i32
    %eq3A_18 = arith.cmpi eq, %jit3A_17, %eq3A : i32
    %jit3A_19 = arith.constant 1 : i32
    %select_n3A_20 = arith.select %eq3A_18, %jit3A_19, %jit3A_17 : i32
    %rem3A_21 = arith.remsi %arg1, %select_n3A_20 : i32
    %ne3A_22 = arith.constant 0 : i32
    %ne3A_23 = arith.cmpi ne, %rem3A_21, %ne3A_22 : i32
    %lt3A = arith.constant 0 : i32
    %lt3A_24 = arith.cmpi slt, %rem3A_21, %lt3A : i32
    %lt3A_25 = arith.constant 0 : i32
    %lt3A_26 = arith.cmpi slt, %select_n3A_20, %lt3A_25 : i32
    %ne3A_27 = arith.xori %lt3A_24, %lt3A_26 : i1
    %and3A_28 = arith.andi %ne3A_27, %ne3A_23 : i1
    %add3A_29 = arith.addi %rem3A_21, %select_n3A_20 : i32
    %select_n3A_30 = arith.select %and3A_28, %add3A_29, %rem3A_21 : i32
    %mul3A_31 = arith.constant 4096 : i32
    %mul3A_32 = arith.muli %select_n3A_30, %mul3A_31 : i32
    %jit3A_33 = arith.constant 4 : i32
    %div3A_34 = arith.divsi %arg1, %jit3A_33 : i32
    %sign3A_35 = arith.constant 0 : i32
    %sign3A_36 = arith.cmpi sgt, %arg1, %sign3A_35 : i32
    %sign3A_37 = arith.extui %sign3A_36 : i1 to i32
    %sign3A_38 = arith.constant 0 : i32
    %sign3A_39 = arith.cmpi slt, %arg1, %sign3A_38 : i32
    %sign3A_40 = arith.extui %sign3A_39 : i1 to i32
    %sign3A_41 = arith.subi %sign3A_37, %sign3A_40 : i32
    %sign3A_42 = arith.constant 0 : i32
    %sign3A_43 = arith.cmpi sgt, %jit3A_33, %sign3A_42 : i32
    %sign3A_44 = arith.extui %sign3A_43 : i1 to i32
    %sign3A_45 = arith.constant 0 : i32
    %sign3A_46 = arith.cmpi slt, %jit3A_33, %sign3A_45 : i32
    %sign3A_47 = arith.extui %sign3A_46 : i1 to i32
    %sign3A_48 = arith.subi %sign3A_44, %sign3A_47 : i32
    %ne3A_49 = arith.cmpi ne, %sign3A_41, %sign3A_48 : i32
    %rem3A_50 = arith.remsi %arg1, %jit3A_33 : i32
    %ne3A_51 = arith.constant 0 : i32
    %ne3A_52 = arith.cmpi ne, %rem3A_50, %ne3A_51 : i32
    %and3A_53 = arith.andi %ne3A_49, %ne3A_52 : i1
    %sub3A_54 = arith.constant 1 : i32
    %sub3A_55 = arith.subi %div3A_34, %sub3A_54 : i32
    %select_n3A_56 = arith.select %and3A_53, %sub3A_55, %div3A_34 : i32
    %mul3A_57 = arith.constant 4 : i32
    %mul3A_58 = arith.muli %select_n3A_56, %mul3A_57 : i32
    "tpu.region"() ({
      %run_scoped3A = tpu.sem_alloc : memref<!tpu.dma_semaphore, #tpu.memory_space<semaphore_mem>>
      %dma_start3A = arith.constant 0 : i32
      %dma_start3A_582 = arith.constant 0 : i32
      %dma_start3A_583 = tpu.memref_slice %arg2[%add3A, %dma_start3A, %dma_start3A_582] : memref<8x3x16384xf32, #tpu.memory_space<hbm>> -> memref<1x3x16384xf32, #tpu.memory_space<hbm>>
      %dma_start3A_584 = tpu.memref_squeeze %dma_start3A_583 : memref<1x3x16384xf32, #tpu.memory_space<hbm>> -> memref<3x16384xf32, #tpu.memory_space<hbm>>
      %dma_start3A_585 = arith.constant 0 : i32
      %dma_start3A_586 = arith.constant 0 : i32
      %dma_start3A_587 = tpu.memref_slice %arg2[%add3A, %dma_start3A_585, %dma_start3A_586] : memref<8x3x16384xf32, #tpu.memory_space<hbm>> -> memref<1x3x16384xf32, #tpu.memory_space<hbm>>
      %dma_start3A_588 = tpu.memref_squeeze %dma_start3A_587 : memref<1x3x16384xf32, #tpu.memory_space<hbm>> -> memref<3x16384xf32, #tpu.memory_space<hbm>>
      tpu.enqueue_dma source(%dma_start3A_588 : memref<3x16384xf32, #tpu.memory_space<hbm>>) target(%arg4 : memref<3x16384xf32, #tpu.memory_space<vmem>>) target_semaphore(%run_scoped3A : memref<!tpu.dma_semaphore, #tpu.memory_space<semaphore_mem>>)
      %dma_wait3A = arith.constant 0 : i32
      %dma_wait3A_589 = arith.constant 0 : i32
      %dma_wait3A_590 = tpu.memref_slice %arg2[%add3A, %dma_wait3A, %dma_wait3A_589] : memref<8x3x16384xf32, #tpu.memory_space<hbm>> -> memref<1x3x16384xf32, #tpu.memory_space<hbm>>
      %dma_wait3A_591 = tpu.memref_squeeze %dma_wait3A_590 : memref<1x3x16384xf32, #tpu.memory_space<hbm>> -> memref<3x16384xf32, #tpu.memory_space<hbm>>
      %dma_wait3A_592 = arith.constant 0 : i32
      %dma_wait3A_593 = arith.constant 0 : i32
      %dma_wait3A_594 = tpu.memref_slice %arg2[%add3A, %dma_wait3A_592, %dma_wait3A_593] : memref<8x3x16384xf32, #tpu.memory_space<hbm>> -> memref<1x3x16384xf32, #tpu.memory_space<hbm>>
      %dma_wait3A_595 = tpu.memref_squeeze %dma_wait3A_594 : memref<1x3x16384xf32, #tpu.memory_space<hbm>> -> memref<3x16384xf32, #tpu.memory_space<hbm>>
      tpu.wait_dma2 semaphore(%run_scoped3A : memref<!tpu.dma_semaphore, #tpu.memory_space<semaphore_mem>>) src(%dma_wait3A_595 : memref<3x16384xf32, #tpu.memory_space<hbm>>) dst(%arg4 : memref<3x16384xf32, #tpu.memory_space<vmem>>)
      tpu.yield
    }) : () -> ()
    %iota3A = tpu.iota {dimensions = array<i32: 0>} : vector<16xi32>
    %broadcast_in_dim3A = arith.constant 1.000000e+10 : f32
    %broadcast_in_dim3A_59 = vector.broadcast %broadcast_in_dim3A : f32 to vector<16xf32>
    %swap3A = arith.constant 0 : index
    %swap3A_60 = tpu.vector_load %arg5[%swap3A] {strides = array<i32>} : memref<4096xf32, #tpu.memory_space<vmem>>, vector<16xf32>,
    tpu.vector_store %arg5[%swap3A], %broadcast_in_dim3A_59 {strides = array<i32>} : memref<4096xf32, #tpu.memory_space<vmem>>, vector<16xf32>,
    %swap3A_61 = arith.constant 16 : index
    %swap3A_62 = tpu.vector_load %arg5[%swap3A_61] {strides = array<i32>} : memref<4096xf32, #tpu.memory_space<vmem>>, vector<16xf32>,
    tpu.vector_store %arg5[%swap3A_61], %broadcast_in_dim3A_59 {strides = array<i32>} : memref<4096xf32, #tpu.memory_space<vmem>>, vector<16xf32>,
    %swap3A_63 = arith.constant 32 : index
    %swap3A_64 = tpu.vector_load %arg5[%swap3A_63] {strides = array<i32>} : memref<4096xf32, #tpu.memory_space<vmem>>, vector<16xf32>,
    tpu.vector_store %arg5[%swap3A_63], %broadcast_in_dim3A_59 {strides = array<i32>} : memref<4096xf32, #tpu.memory_space<vmem>>, vector<16xf32>,
    %swap3A_65 = arith.constant 48 : index
    %swap3A_66 = tpu.vector_load %arg5[%swap3A_65] {strides = array<i32>} : memref<4096xf32, #tpu.memory_space<vmem>>, vector<16xf32>,
    tpu.vector_store %arg5[%swap3A_65], %broadcast_in_dim3A_59 {strides = array<i32>} : memref<4096xf32, #tpu.memory_space<vmem>>, vector<16xf32>,
    %swap3A_67 = arith.constant 64 : index
    %swap3A_68 = tpu.vector_load %arg5[%swap3A_67] {strides = array<i32>} : memref<4096xf32, #tpu.memory_space<vmem>>, vector<16xf32>,
    tpu.vector_store %arg5[%swap3A_67], %broadcast_in_dim3A_59 {strides = array<i32>} : memref<4096xf32, #tpu.memory_space<vmem>>, vector<16xf32>,
    %swap3A_69 = arith.constant 80 : index
    %swap3A_70 = tpu.vector_load %arg5[%swap3A_69] {strides = array<i32>} : memref<4096xf32, #tpu.memory_space<vmem>>, vector<16xf32>,
    tpu.vector_store %arg5[%swap3A_69], %broadcast_in_dim3A_59 {strides = array<i32>} : memref<4096xf32, #tpu.memory_space<vmem>>, vector<16xf32>,
    %swap3A_71 = arith.constant 96 : index
    %swap3A_72 = tpu.vector_load %arg5[%swap3A_71] {strides = array<i32>} : memref<4096xf32, #tpu.memory_space<vmem>>, vector<16xf32>,
    tpu.vector_store %arg5[%swap3A_71], %broadcast_in_dim3A_59 {strides = array<i32>} : memref<4096xf32, #tpu.memory_space<vmem>>, vector<16xf32>,
    %swap3A_73 = arith.constant 112 : index
    %swap3A_74 = tpu.vector_load %arg5[%swap3A_73] {strides = array<i32>} : memref<4096xf32, #tpu.memory_space<vmem>>, vector<16xf32>,
    tpu.vector_store %arg5[%swap3A_73], %broadcast_in_dim3A_59 {strides = array<i32>} : memref<4096xf32, #tpu.memory_space<vmem>>, vector<16xf32>,
    %swap3A_75 = arith.constant 128 : index
    %swap3A_76 = tpu.vector_load %arg5[%swap3A_75] {strides = array<i32>} : memref<4096xf32, #tpu.memory_space<vmem>>, vector<16xf32>,
    tpu.vector_store %arg5[%swap3A_75], %broadcast_in_dim3A_59 {strides = array<i32>} : memref<4096xf32, #tpu.memory_space<vmem>>, vector<16xf32>,
    %swap3A_77 = arith.constant 144 : index
    %swap3A_78 = tpu.vector_load %arg5[%swap3A_77] {strides = array<i32>} : memref<4096xf32, #tpu.memory_space<vmem>>, vector<16xf32>,
    tpu.vector_store %arg5[%swap3A_77], %broadcast_in_dim3A_59 {strides = array<i32>} : memref<4096xf32, #tpu.memory_space<vmem>>, vector<16xf32>,
    %swap3A_79 = arith.constant 160 : index
    %swap3A_80 = tpu.vector_load %arg5[%swap3A_79] {strides = array<i32>} : memref<4096xf32, #tpu.memory_space<vmem>>, vector<16xf32>,
    tpu.vector_store %arg5[%swap3A_79], %broadcast_in_dim3A_59 {strides = array<i32>} : memref<4096xf32, #tpu.memory_space<vmem>>, vector<16xf32>,
    %swap3A_81 = arith.constant 176 : index
    %swap3A_82 = tpu.vector_load %arg5[%swap3A_81] {strides = array<i32>} : memref<4096xf32, #tpu.memory_space<vmem>>, vector<16xf32>,
    tpu.vector_store %arg5[%swap3A_81], %broadcast_in_dim3A_59 {strides = array<i32>} : memref<4096xf32, #tpu.memory_space<vmem>>, vector<16xf32>,
    %swap3A_83 = arith.constant 192 : index
    %swap3A_84 = tpu.vector_load %arg5[%swap3A_83] {strides = array<i32>} : memref<4096xf32, #tpu.memory_space<vmem>>, vector<16xf32>,
    tpu.vector_store %arg5[%swap3A_83], %broadcast_in_dim3A_59 {strides = array<i32>} : memref<4096xf32, #tpu.memory_space<vmem>>, vector<16xf32>,
    %swap3A_85 = arith.constant 208 : index
    %swap3A_86 = tpu.vector_load %arg5[%swap3A_85] {strides = array<i32>} : memref<4096xf32, #tpu.memory_space<vmem>>, vector<16xf32>,
    tpu.vector_store %arg5[%swap3A_85], %broadcast_in_dim3A_59 {strides = array<i32>} : memref<4096xf32, #tpu.memory_space<vmem>>, vector<16xf32>,
    %swap3A_87 = arith.constant 224 : index
    %swap3A_88 = tpu.vector_load %arg5[%swap3A_87] {strides = array<i32>} : memref<4096xf32, #tpu.memory_space<vmem>>, vector<16xf32>,
    tpu.vector_store %arg5[%swap3A_87], %broadcast_in_dim3A_59 {strides = array<i32>} : memref<4096xf32, #tpu.memory_space<vmem>>, vector<16xf32>,
    %swap3A_89 = arith.constant 240 : index
    %swap3A_90 = tpu.vector_load %arg5[%swap3A_89] {strides = array<i32>} : memref<4096xf32, #tpu.memory_space<vmem>>, vector<16xf32>,
    tpu.vector_store %arg5[%swap3A_89], %broadcast_in_dim3A_59 {strides = array<i32>} : memref<4096xf32, #tpu.memory_space<vmem>>, vector<16xf32>,
    %swap3A_91 = arith.constant 256 : index
    %swap3A_92 = tpu.vector_load %arg5[%swap3A_91] {strides = array<i32>} : memref<4096xf32, #tpu.memory_space<vmem>>, vector<16xf32>,
    tpu.vector_store %arg5[%swap3A_91], %broadcast_in_dim3A_59 {strides = array<i32>} : memref<4096xf32, #tpu.memory_space<vmem>>, vector<16xf32>,
    %swap3A_93 = arith.constant 272 : index
    %swap3A_94 = tpu.vector_load %arg5[%swap3A_93] {strides = array<i32>} : memref<4096xf32, #tpu.memory_space<vmem>>, vector<16xf32>,
    tpu.vector_store %arg5[%swap3A_93], %broadcast_in_dim3A_59 {strides = array<i32>} : memref<4096xf32, #tpu.memory_space<vmem>>, vector<16xf32>,
    %swap3A_95 = arith.constant 288 : index
    %swap3A_96 = tpu.vector_load %arg5[%swap3A_95] {strides = array<i32>} : memref<4096xf32, #tpu.memory_space<vmem>>, vector<16xf32>,
    tpu.vector_store %arg5[%swap3A_95], %broadcast_in_dim3A_59 {strides = array<i32>} : memref<4096xf32, #tpu.memory_space<vmem>>, vector<16xf32>,
    %swap3A_97 = arith.constant 304 : index
    %swap3A_98 = tpu.vector_load %arg5[%swap3A_97] {strides = array<i32>} : memref<4096xf32, #tpu.memory_space<vmem>>, vector<16xf32>,
    tpu.vector_store %arg5[%swap3A_97], %broadcast_in_dim3A_59 {strides = array<i32>} : memref<4096xf32, #tpu.memory_space<vmem>>, vector<16xf32>,
    %swap3A_99 = arith.constant 320 : index
    %swap3A_100 = tpu.vector_load %arg5[%swap3A_99] {strides = array<i32>} : memref<4096xf32, #tpu.memory_space<vmem>>, vector<16xf32>,
    tpu.vector_store %arg5[%swap3A_99], %broadcast_in_dim3A_59 {strides = array<i32>} : memref<4096xf32, #tpu.memory_space<vmem>>, vector<16xf32>,
    %swap3A_101 = arith.constant 336 : index
    %swap3A_102 = tpu.vector_load %arg5[%swap3A_101] {strides = array<i32>} : memref<4096xf32, #tpu.memory_space<vmem>>, vector<16xf32>,
    tpu.vector_store %arg5[%swap3A_101], %broadcast_in_dim3A_59 {strides = array<i32>} : memref<4096xf32, #tpu.memory_space<vmem>>, vector<16xf32>,
    %swap3A_103 = arith.constant 352 : index
    %swap3A_104 = tpu.vector_load %arg5[%swap3A_103] {strides = array<i32>} : memref<4096xf32, #tpu.memory_space<vmem>>, vector<16xf32>,
    tpu.vector_store %arg5[%swap3A_103], %broadcast_in_dim3A_59 {strides = array<i32>} : memref<4096xf32, #tpu.memory_space<vmem>>, vector<16xf32>,
    %swap3A_105 = arith.constant 368 : index
    %swap3A_106 = tpu.vector_load %arg5[%swap3A_105] {strides = array<i32>} : memref<4096xf32, #tpu.memory_space<vmem>>, vector<16xf32>,
    tpu.vector_store %arg5[%swap3A_105], %broadcast_in_dim3A_59 {strides = array<i32>} : memref<4096xf32, #tpu.memory_space<vmem>>, vector<16xf32>,
    %swap3A_107 = arith.constant 384 : index
    %swap3A_108 = tpu.vector_load %arg5[%swap3A_107] {strides = array<i32>} : memref<4096xf32, #tpu.memory_space<vmem>>, vector<16xf32>,
    tpu.vector_store %arg5[%swap3A_107], %broadcast_in_dim3A_59 {strides = array<i32>} : memref<4096xf32, #tpu.memory_space<vmem>>, vector<16xf32>,
    %swap3A_109 = arith.constant 400 : index
    %swap3A_110 = tpu.vector_load %arg5[%swap3A_109] {strides = array<i32>} : memref<4096xf32, #tpu.memory_space<vmem>>, vector<16xf32>,
    tpu.vector_store %arg5[%swap3A_109], %broadcast_in_dim3A_59 {strides = array<i32>} : memref<4096xf32, #tpu.memory_space<vmem>>, vector<16xf32>,
    %swap3A_111 = arith.constant 416 : index
    %swap3A_112 = tpu.vector_load %arg5[%swap3A_111] {strides = array<i32>} : memref<4096xf32, #tpu.memory_space<vmem>>, vector<16xf32>,
    tpu.vector_store %arg5[%swap3A_111], %broadcast_in_dim3A_59 {strides = array<i32>} : memref<4096xf32, #tpu.memory_space<vmem>>, vector<16xf32>,
    %swap3A_113 = arith.constant 432 : index
    %swap3A_114 = tpu.vector_load %arg5[%swap3A_113] {strides = array<i32>} : memref<4096xf32, #tpu.memory_space<vmem>>, vector<16xf32>,
    tpu.vector_store %arg5[%swap3A_113], %broadcast_in_dim3A_59 {strides = array<i32>} : memref<4096xf32, #tpu.memory_space<vmem>>, vector<16xf32>,
    %swap3A_115 = arith.constant 448 : index
    %swap3A_116 = tpu.vector_load %arg5[%swap3A_115] {strides = array<i32>} : memref<4096xf32, #tpu.memory_space<vmem>>, vector<16xf32>,
    tpu.vector_store %arg5[%swap3A_115], %broadcast_in_dim3A_59 {strides = array<i32>} : memref<4096xf32, #tpu.memory_space<vmem>>, vector<16xf32>,
    %swap3A_117 = arith.constant 464 : index
    %swap3A_118 = tpu.vector_load %arg5[%swap3A_117] {strides = array<i32>} : memref<4096xf32, #tpu.memory_space<vmem>>, vector<16xf32>,
    tpu.vector_store %arg5[%swap3A_117], %broadcast_in_dim3A_59 {strides = array<i32>} : memref<4096xf32, #tpu.memory_space<vmem>>, vector<16xf32>,
    %swap3A_119 = arith.constant 480 : index
    %swap3A_120 = tpu.vector_load %arg5[%swap3A_119] {strides = array<i32>} : memref<4096xf32, #tpu.memory_space<vmem>>, vector<16xf32>,
    tpu.vector_store %arg5[%swap3A_119], %broadcast_in_dim3A_59 {strides = array<i32>} : memref<4096xf32, #tpu.memory_space<vmem>>, vector<16xf32>,
    %swap3A_121 = arith.constant 496 : index
    %swap3A_122 = tpu.vector_load %arg5[%swap3A_121] {strides = array<i32>} : memref<4096xf32, #tpu.memory_space<vmem>>, vector<16xf32>,
    tpu.vector_store %arg5[%swap3A_121], %broadcast_in_dim3A_59 {strides = array<i32>} : memref<4096xf32, #tpu.memory_space<vmem>>, vector<16xf32>,
    %swap3A_123 = arith.constant 512 : index
    %swap3A_124 = tpu.vector_load %arg5[%swap3A_123] {strides = array<i32>} : memref<4096xf32, #tpu.memory_space<vmem>>, vector<16xf32>,
    tpu.vector_store %arg5[%swap3A_123], %broadcast_in_dim3A_59 {strides = array<i32>} : memref<4096xf32, #tpu.memory_space<vmem>>, vector<16xf32>,
    %swap3A_125 = arith.constant 528 : index
    %swap3A_126 = tpu.vector_load %arg5[%swap3A_125] {strides = array<i32>} : memref<4096xf32, #tpu.memory_space<vmem>>, vector<16xf32>,
    tpu.vector_store %arg5[%swap3A_125], %broadcast_in_dim3A_59 {strides = array<i32>} : memref<4096xf32, #tpu.memory_space<vmem>>, vector<16xf32>,
    %swap3A_127 = arith.constant 544 : index
    %swap3A_128 = tpu.vector_load %arg5[%swap3A_127] {strides = array<i32>} : memref<4096xf32, #tpu.memory_space<vmem>>, vector<16xf32>,
    tpu.vector_store %arg5[%swap3A_127], %broadcast_in_dim3A_59 {strides = array<i32>} : memref<4096xf32, #tpu.memory_space<vmem>>, vector<16xf32>,
    %swap3A_129 = arith.constant 560 : index
    %swap3A_130 = tpu.vector_load %arg5[%swap3A_129] {strides = array<i32>} : memref<4096xf32, #tpu.memory_space<vmem>>, vector<16xf32>,
    tpu.vector_store %arg5[%swap3A_129], %broadcast_in_dim3A_59 {strides = array<i32>} : memref<4096xf32, #tpu.memory_space<vmem>>, vector<16xf32>,
    %swap3A_131 = arith.constant 576 : index
    %swap3A_132 = tpu.vector_load %arg5[%swap3A_131] {strides = array<i32>} : memref<4096xf32, #tpu.memory_space<vmem>>, vector<16xf32>,
    tpu.vector_store %arg5[%swap3A_131], %broadcast_in_dim3A_59 {strides = array<i32>} : memref<4096xf32, #tpu.memory_space<vmem>>, vector<16xf32>,
    %swap3A_133 = arith.constant 592 : index
    %swap3A_134 = tpu.vector_load %arg5[%swap3A_133] {strides = array<i32>} : memref<4096xf32, #tpu.memory_space<vmem>>, vector<16xf32>,
    tpu.vector_store %arg5[%swap3A_133], %broadcast_in_dim3A_59 {strides = array<i32>} : memref<4096xf32, #tpu.memory_space<vmem>>, vector<16xf32>,
    %swap3A_135 = arith.constant 608 : index
    %swap3A_136 = tpu.vector_load %arg5[%swap3A_135] {strides = array<i32>} : memref<4096xf32, #tpu.memory_space<vmem>>, vector<16xf32>,
    tpu.vector_store %arg5[%swap3A_135], %broadcast_in_dim3A_59 {strides = array<i32>} : memref<4096xf32, #tpu.memory_space<vmem>>, vector<16xf32>,
    %swap3A_137 = arith.constant 624 : index
    %swap3A_138 = tpu.vector_load %arg5[%swap3A_137] {strides = array<i32>} : memref<4096xf32, #tpu.memory_space<vmem>>, vector<16xf32>,
    tpu.vector_store %arg5[%swap3A_137], %broadcast_in_dim3A_59 {strides = array<i32>} : memref<4096xf32, #tpu.memory_space<vmem>>, vector<16xf32>,
    %swap3A_139 = arith.constant 640 : index
    %swap3A_140 = tpu.vector_load %arg5[%swap3A_139] {strides = array<i32>} : memref<4096xf32, #tpu.memory_space<vmem>>, vector<16xf32>,
    tpu.vector_store %arg5[%swap3A_139], %broadcast_in_dim3A_59 {strides = array<i32>} : memref<4096xf32, #tpu.memory_space<vmem>>, vector<16xf32>,
    %swap3A_141 = arith.constant 656 : index
    %swap3A_142 = tpu.vector_load %arg5[%swap3A_141] {strides = array<i32>} : memref<4096xf32, #tpu.memory_space<vmem>>, vector<16xf32>,
    tpu.vector_store %arg5[%swap3A_141], %broadcast_in_dim3A_59 {strides = array<i32>} : memref<4096xf32, #tpu.memory_space<vmem>>, vector<16xf32>,
    %swap3A_143 = arith.constant 672 : index
    %swap3A_144 = tpu.vector_load %arg5[%swap3A_143] {strides = array<i32>} : memref<4096xf32, #tpu.memory_space<vmem>>, vector<16xf32>,
    tpu.vector_store %arg5[%swap3A_143], %broadcast_in_dim3A_59 {strides = array<i32>} : memref<4096xf32, #tpu.memory_space<vmem>>, vector<16xf32>,
    %swap3A_145 = arith.constant 688 : index
    %swap3A_146 = tpu.vector_load %arg5[%swap3A_145] {strides = array<i32>} : memref<4096xf32, #tpu.memory_space<vmem>>, vector<16xf32>,
    tpu.vector_store %arg5[%swap3A_145], %broadcast_in_dim3A_59 {strides = array<i32>} : memref<4096xf32, #tpu.memory_space<vmem>>, vector<16xf32>,
    %swap3A_147 = arith.constant 704 : index
    %swap3A_148 = tpu.vector_load %arg5[%swap3A_147] {strides = array<i32>} : memref<4096xf32, #tpu.memory_space<vmem>>, vector<16xf32>,
    tpu.vector_store %arg5[%swap3A_147], %broadcast_in_dim3A_59 {strides = array<i32>} : memref<4096xf32, #tpu.memory_space<vmem>>, vector<16xf32>,
    %swap3A_149 = arith.constant 720 : index
    %swap3A_150 = tpu.vector_load %arg5[%swap3A_149] {strides = array<i32>} : memref<4096xf32, #tpu.memory_space<vmem>>, vector<16xf32>,
    tpu.vector_store %arg5[%swap3A_149], %broadcast_in_dim3A_59 {strides = array<i32>} : memref<4096xf32, #tpu.memory_space<vmem>>, vector<16xf32>,
    %swap3A_151 = arith.constant 736 : index
    %swap3A_152 = tpu.vector_load %arg5[%swap3A_151] {strides = array<i32>} : memref<4096xf32, #tpu.memory_space<vmem>>, vector<16xf32>,
    tpu.vector_store %arg5[%swap3A_151], %broadcast_in_dim3A_59 {strides = array<i32>} : memref<4096xf32, #tpu.memory_space<vmem>>, vector<16xf32>,
    %swap3A_153 = arith.constant 752 : index
    %swap3A_154 = tpu.vector_load %arg5[%swap3A_153] {strides = array<i32>} : memref<4096xf32, #tpu.memory_space<vmem>>, vector<16xf32>,
    tpu.vector_store %arg5[%swap3A_153], %broadcast_in_dim3A_59 {strides = array<i32>} : memref<4096xf32, #tpu.memory_space<vmem>>, vector<16xf32>,
    %swap3A_155 = arith.constant 768 : index
    %swap3A_156 = tpu.vector_load %arg5[%swap3A_155] {strides = array<i32>} : memref<4096xf32, #tpu.memory_space<vmem>>, vector<16xf32>,
    tpu.vector_store %arg5[%swap3A_155], %broadcast_in_dim3A_59 {strides = array<i32>} : memref<4096xf32, #tpu.memory_space<vmem>>, vector<16xf32>,
    %swap3A_157 = arith.constant 784 : index
    %swap3A_158 = tpu.vector_load %arg5[%swap3A_157] {strides = array<i32>} : memref<4096xf32, #tpu.memory_space<vmem>>, vector<16xf32>,
    tpu.vector_store %arg5[%swap3A_157], %broadcast_in_dim3A_59 {strides = array<i32>} : memref<4096xf32, #tpu.memory_space<vmem>>, vector<16xf32>,
    %swap3A_159 = arith.constant 800 : index
    %swap3A_160 = tpu.vector_load %arg5[%swap3A_159] {strides = array<i32>} : memref<4096xf32, #tpu.memory_space<vmem>>, vector<16xf32>,
    tpu.vector_store %arg5[%swap3A_159], %broadcast_in_dim3A_59 {strides = array<i32>} : memref<4096xf32, #tpu.memory_space<vmem>>, vector<16xf32>,
    %swap3A_161 = arith.constant 816 : index
    %swap3A_162 = tpu.vector_load %arg5[%swap3A_161] {strides = array<i32>} : memref<4096xf32, #tpu.memory_space<vmem>>, vector<16xf32>,
    tpu.vector_store %arg5[%swap3A_161], %broadcast_in_dim3A_59 {strides = array<i32>} : memref<4096xf32, #tpu.memory_space<vmem>>, vector<16xf32>,
    %swap3A_163 = arith.constant 832 : index
    %swap3A_164 = tpu.vector_load %arg5[%swap3A_163] {strides = array<i32>} : memref<4096xf32, #tpu.memory_space<vmem>>, vector<16xf32>,
    tpu.vector_store %arg5[%swap3A_163], %broadcast_in_dim3A_59 {strides = array<i32>} : memref<4096xf32, #tpu.memory_space<vmem>>, vector<16xf32>,
    %swap3A_165 = arith.constant 848 : index
    %swap3A_166 = tpu.vector_load %arg5[%swap3A_165] {strides = array<i32>} : memref<4096xf32, #tpu.memory_space<vmem>>, vector<16xf32>,
    tpu.vector_store %arg5[%swap3A_165], %broadcast_in_dim3A_59 {strides = array<i32>} : memref<4096xf32, #tpu.memory_space<vmem>>, vector<16xf32>,
    %swap3A_167 = arith.constant 864 : index
    %swap3A_168 = tpu.vector_load %arg5[%swap3A_167] {strides = array<i32>} : memref<4096xf32, #tpu.memory_space<vmem>>, vector<16xf32>,
    tpu.vector_store %arg5[%swap3A_167], %broadcast_in_dim3A_59 {strides = array<i32>} : memref<4096xf32, #tpu.memory_space<vmem>>, vector<16xf32>,
    %swap3A_169 = arith.constant 880 : index
    %swap3A_170 = tpu.vector_load %arg5[%swap3A_169] {strides = array<i32>} : memref<4096xf32, #tpu.memory_space<vmem>>, vector<16xf32>,
    tpu.vector_store %arg5[%swap3A_169], %broadcast_in_dim3A_59 {strides = array<i32>} : memref<4096xf32, #tpu.memory_space<vmem>>, vector<16xf32>,
    %swap3A_171 = arith.constant 896 : index
    %swap3A_172 = tpu.vector_load %arg5[%swap3A_171] {strides = array<i32>} : memref<4096xf32, #tpu.memory_space<vmem>>, vector<16xf32>,
    tpu.vector_store %arg5[%swap3A_171], %broadcast_in_dim3A_59 {strides = array<i32>} : memref<4096xf32, #tpu.memory_space<vmem>>, vector<16xf32>,
    %swap3A_173 = arith.constant 912 : index
    %swap3A_174 = tpu.vector_load %arg5[%swap3A_173] {strides = array<i32>} : memref<4096xf32, #tpu.memory_space<vmem>>, vector<16xf32>,
    tpu.vector_store %arg5[%swap3A_173], %broadcast_in_dim3A_59 {strides = array<i32>} : memref<4096xf32, #tpu.memory_space<vmem>>, vector<16xf32>,
    %swap3A_175 = arith.constant 928 : index
    %swap3A_176 = tpu.vector_load %arg5[%swap3A_175] {strides = array<i32>} : memref<4096xf32, #tpu.memory_space<vmem>>, vector<16xf32>,
    tpu.vector_store %arg5[%swap3A_175], %broadcast_in_dim3A_59 {strides = array<i32>} : memref<4096xf32, #tpu.memory_space<vmem>>, vector<16xf32>,
    %swap3A_177 = arith.constant 944 : index
    %swap3A_178 = tpu.vector_load %arg5[%swap3A_177] {strides = array<i32>} : memref<4096xf32, #tpu.memory_space<vmem>>, vector<16xf32>,
    tpu.vector_store %arg5[%swap3A_177], %broadcast_in_dim3A_59 {strides = array<i32>} : memref<4096xf32, #tpu.memory_space<vmem>>, vector<16xf32>,
    %swap3A_179 = arith.constant 960 : index
    %swap3A_180 = tpu.vector_load %arg5[%swap3A_179] {strides = array<i32>} : memref<4096xf32, #tpu.memory_space<vmem>>, vector<16xf32>,
    tpu.vector_store %arg5[%swap3A_179], %broadcast_in_dim3A_59 {strides = array<i32>} : memref<4096xf32, #tpu.memory_space<vmem>>, vector<16xf32>,
    %swap3A_181 = arith.constant 976 : index
    %swap3A_182 = tpu.vector_load %arg5[%swap3A_181] {strides = array<i32>} : memref<4096xf32, #tpu.memory_space<vmem>>, vector<16xf32>,
    tpu.vector_store %arg5[%swap3A_181], %broadcast_in_dim3A_59 {strides = array<i32>} : memref<4096xf32, #tpu.memory_space<vmem>>, vector<16xf32>,
    %swap3A_183 = arith.constant 992 : index
    %swap3A_184 = tpu.vector_load %arg5[%swap3A_183] {strides = array<i32>} : memref<4096xf32, #tpu.memory_space<vmem>>, vector<16xf32>,
    tpu.vector_store %arg5[%swap3A_183], %broadcast_in_dim3A_59 {strides = array<i32>} : memref<4096xf32, #tpu.memory_space<vmem>>, vector<16xf32>,
    %swap3A_185 = arith.constant 1008 : index
    %swap3A_186 = tpu.vector_load %arg5[%swap3A_185] {strides = array<i32>} : memref<4096xf32, #tpu.memory_space<vmem>>, vector<16xf32>,
    tpu.vector_store %arg5[%swap3A_185], %broadcast_in_dim3A_59 {strides = array<i32>} : memref<4096xf32, #tpu.memory_space<vmem>>, vector<16xf32>,
    %swap3A_187 = arith.constant 1024 : index
    %swap3A_188 = tpu.vector_load %arg5[%swap3A_187] {strides = array<i32>} : memref<4096xf32, #tpu.memory_space<vmem>>, vector<16xf32>,
    tpu.vector_store %arg5[%swap3A_187], %broadcast_in_dim3A_59 {strides = array<i32>} : memref<4096xf32, #tpu.memory_space<vmem>>, vector<16xf32>,
    %swap3A_189 = arith.constant 1040 : index
    %swap3A_190 = tpu.vector_load %arg5[%swap3A_189] {strides = array<i32>} : memref<4096xf32, #tpu.memory_space<vmem>>, vector<16xf32>,
    tpu.vector_store %arg5[%swap3A_189], %broadcast_in_dim3A_59 {strides = array<i32>} : memref<4096xf32, #tpu.memory_space<vmem>>, vector<16xf32>,
    %swap3A_191 = arith.constant 1056 : index
    %swap3A_192 = tpu.vector_load %arg5[%swap3A_191] {strides = array<i32>} : memref<4096xf32, #tpu.memory_space<vmem>>, vector<16xf32>,
    tpu.vector_store %arg5[%swap3A_191], %broadcast_in_dim3A_59 {strides = array<i32>} : memref<4096xf32, #tpu.memory_space<vmem>>, vector<16xf32>,
    %swap3A_193 = arith.constant 1072 : index
    %swap3A_194 = tpu.vector_load %arg5[%swap3A_193] {strides = array<i32>} : memref<4096xf32, #tpu.memory_space<vmem>>, vector<16xf32>,
    tpu.vector_store %arg5[%swap3A_193], %broadcast_in_dim3A_59 {strides = array<i32>} : memref<4096xf32, #tpu.memory_space<vmem>>, vector<16xf32>,
    %swap3A_195 = arith.constant 1088 : index
    %swap3A_196 = tpu.vector_load %arg5[%swap3A_195] {strides = array<i32>} : memref<4096xf32, #tpu.memory_space<vmem>>, vector<16xf32>,
    tpu.vector_store %arg5[%swap3A_195], %broadcast_in_dim3A_59 {strides = array<i32>} : memref<4096xf32, #tpu.memory_space<vmem>>, vector<16xf32>,
    %swap3A_197 = arith.constant 1104 : index
    %swap3A_198 = tpu.vector_load %arg5[%swap3A_197] {strides = array<i32>} : memref<4096xf32, #tpu.memory_space<vmem>>, vector<16xf32>,
    tpu.vector_store %arg5[%swap3A_197], %broadcast_in_dim3A_59 {strides = array<i32>} : memref<4096xf32, #tpu.memory_space<vmem>>, vector<16xf32>,
    %swap3A_199 = arith.constant 1120 : index
    %swap3A_200 = tpu.vector_load %arg5[%swap3A_199] {strides = array<i32>} : memref<4096xf32, #tpu.memory_space<vmem>>, vector<16xf32>,
    tpu.vector_store %arg5[%swap3A_199], %broadcast_in_dim3A_59 {strides = array<i32>} : memref<4096xf32, #tpu.memory_space<vmem>>, vector<16xf32>,
    %swap3A_201 = arith.constant 1136 : index
    %swap3A_202 = tpu.vector_load %arg5[%swap3A_201] {strides = array<i32>} : memref<4096xf32, #tpu.memory_space<vmem>>, vector<16xf32>,
    tpu.vector_store %arg5[%swap3A_201], %broadcast_in_dim3A_59 {strides = array<i32>} : memref<4096xf32, #tpu.memory_space<vmem>>, vector<16xf32>,
    %swap3A_203 = arith.constant 1152 : index
    %swap3A_204 = tpu.vector_load %arg5[%swap3A_203] {strides = array<i32>} : memref<4096xf32, #tpu.memory_space<vmem>>, vector<16xf32>,
    tpu.vector_store %arg5[%swap3A_203], %broadcast_in_dim3A_59 {strides = array<i32>} : memref<4096xf32, #tpu.memory_space<vmem>>, vector<16xf32>,
    %swap3A_205 = arith.constant 1168 : index
    %swap3A_206 = tpu.vector_load %arg5[%swap3A_205] {strides = array<i32>} : memref<4096xf32, #tpu.memory_space<vmem>>, vector<16xf32>,
    tpu.vector_store %arg5[%swap3A_205], %broadcast_in_dim3A_59 {strides = array<i32>} : memref<4096xf32, #tpu.memory_space<vmem>>, vector<16xf32>,
    %swap3A_207 = arith.constant 1184 : index
    %swap3A_208 = tpu.vector_load %arg5[%swap3A_207] {strides = array<i32>} : memref<4096xf32, #tpu.memory_space<vmem>>, vector<16xf32>,
    tpu.vector_store %arg5[%swap3A_207], %broadcast_in_dim3A_59 {strides = array<i32>} : memref<4096xf32, #tpu.memory_space<vmem>>, vector<16xf32>,
    %swap3A_209 = arith.constant 1200 : index
    %swap3A_210 = tpu.vector_load %arg5[%swap3A_209] {strides = array<i32>} : memref<4096xf32, #tpu.memory_space<vmem>>, vector<16xf32>,
    tpu.vector_store %arg5[%swap3A_209], %broadcast_in_dim3A_59 {strides = array<i32>} : memref<4096xf32, #tpu.memory_space<vmem>>, vector<16xf32>,
    %swap3A_211 = arith.constant 1216 : index
    %swap3A_212 = tpu.vector_load %arg5[%swap3A_211] {strides = array<i32>} : memref<4096xf32, #tpu.memory_space<vmem>>, vector<16xf32>,
    tpu.vector_store %arg5[%swap3A_211], %broadcast_in_dim3A_59 {strides = array<i32>} : memref<4096xf32, #tpu.memory_space<vmem>>, vector<16xf32>,
    %swap3A_213 = arith.constant 1232 : index
    %swap3A_214 = tpu.vector_load %arg5[%swap3A_213] {strides = array<i32>} : memref<4096xf32, #tpu.memory_space<vmem>>, vector<16xf32>,
    tpu.vector_store %arg5[%swap3A_213], %broadcast_in_dim3A_59 {strides = array<i32>} : memref<4096xf32, #tpu.memory_space<vmem>>, vector<16xf32>,
    %swap3A_215 = arith.constant 1248 : index
    %swap3A_216 = tpu.vector_load %arg5[%swap3A_215] {strides = array<i32>} : memref<4096xf32, #tpu.memory_space<vmem>>, vector<16xf32>,
    tpu.vector_store %arg5[%swap3A_215], %broadcast_in_dim3A_59 {strides = array<i32>} : memref<4096xf32, #tpu.memory_space<vmem>>, vector<16xf32>,
    %swap3A_217 = arith.constant 1264 : index
    %swap3A_218 = tpu.vector_load %arg5[%swap3A_217] {strides = array<i32>} : memref<4096xf32, #tpu.memory_space<vmem>>, vector<16xf32>,
    tpu.vector_store %arg5[%swap3A_217], %broadcast_in_dim3A_59 {strides = array<i32>} : memref<4096xf32, #tpu.memory_space<vmem>>, vector<16xf32>,
    %swap3A_219 = arith.constant 1280 : index
    %swap3A_220 = tpu.vector_load %arg5[%swap3A_219] {strides = array<i32>} : memref<4096xf32, #tpu.memory_space<vmem>>, vector<16xf32>,
    tpu.vector_store %arg5[%swap3A_219], %broadcast_in_dim3A_59 {strides = array<i32>} : memref<4096xf32, #tpu.memory_space<vmem>>, vector<16xf32>,
    %swap3A_221 = arith.constant 1296 : index
    %swap3A_222 = tpu.vector_load %arg5[%swap3A_221] {strides = array<i32>} : memref<4096xf32, #tpu.memory_space<vmem>>, vector<16xf32>,
    tpu.vector_store %arg5[%swap3A_221], %broadcast_in_dim3A_59 {strides = array<i32>} : memref<4096xf32, #tpu.memory_space<vmem>>, vector<16xf32>,
    %swap3A_223 = arith.constant 1312 : index
    %swap3A_224 = tpu.vector_load %arg5[%swap3A_223] {strides = array<i32>} : memref<4096xf32, #tpu.memory_space<vmem>>, vector<16xf32>,
    tpu.vector_store %arg5[%swap3A_223], %broadcast_in_dim3A_59 {strides = array<i32>} : memref<4096xf32, #tpu.memory_space<vmem>>, vector<16xf32>,
    %swap3A_225 = arith.constant 1328 : index
    %swap3A_226 = tpu.vector_load %arg5[%swap3A_225] {strides = array<i32>} : memref<4096xf32, #tpu.memory_space<vmem>>, vector<16xf32>,
    tpu.vector_store %arg5[%swap3A_225], %broadcast_in_dim3A_59 {strides = array<i32>} : memref<4096xf32, #tpu.memory_space<vmem>>, vector<16xf32>,
    %swap3A_227 = arith.constant 1344 : index
    %swap3A_228 = tpu.vector_load %arg5[%swap3A_227] {strides = array<i32>} : memref<4096xf32, #tpu.memory_space<vmem>>, vector<16xf32>,
    tpu.vector_store %arg5[%swap3A_227], %broadcast_in_dim3A_59 {strides = array<i32>} : memref<4096xf32, #tpu.memory_space<vmem>>, vector<16xf32>,
    %swap3A_229 = arith.constant 1360 : index
    %swap3A_230 = tpu.vector_load %arg5[%swap3A_229] {strides = array<i32>} : memref<4096xf32, #tpu.memory_space<vmem>>, vector<16xf32>,
    tpu.vector_store %arg5[%swap3A_229], %broadcast_in_dim3A_59 {strides = array<i32>} : memref<4096xf32, #tpu.memory_space<vmem>>, vector<16xf32>,
    %swap3A_231 = arith.constant 1376 : index
    %swap3A_232 = tpu.vector_load %arg5[%swap3A_231] {strides = array<i32>} : memref<4096xf32, #tpu.memory_space<vmem>>, vector<16xf32>,
    tpu.vector_store %arg5[%swap3A_231], %broadcast_in_dim3A_59 {strides = array<i32>} : memref<4096xf32, #tpu.memory_space<vmem>>, vector<16xf32>,
    %swap3A_233 = arith.constant 1392 : index
    %swap3A_234 = tpu.vector_load %arg5[%swap3A_233] {strides = array<i32>} : memref<4096xf32, #tpu.memory_space<vmem>>, vector<16xf32>,
    tpu.vector_store %arg5[%swap3A_233], %broadcast_in_dim3A_59 {strides = array<i32>} : memref<4096xf32, #tpu.memory_space<vmem>>, vector<16xf32>,
    %swap3A_235 = arith.constant 1408 : index
    %swap3A_236 = tpu.vector_load %arg5[%swap3A_235] {strides = array<i32>} : memref<4096xf32, #tpu.memory_space<vmem>>, vector<16xf32>,
    tpu.vector_store %arg5[%swap3A_235], %broadcast_in_dim3A_59 {strides = array<i32>} : memref<4096xf32, #tpu.memory_space<vmem>>, vector<16xf32>,
    %swap3A_237 = arith.constant 1424 : index
    %swap3A_238 = tpu.vector_load %arg5[%swap3A_237] {strides = array<i32>} : memref<4096xf32, #tpu.memory_space<vmem>>, vector<16xf32>,
    tpu.vector_store %arg5[%swap3A_237], %broadcast_in_dim3A_59 {strides = array<i32>} : memref<4096xf32, #tpu.memory_space<vmem>>, vector<16xf32>,
    %swap3A_239 = arith.constant 1440 : index
    %swap3A_240 = tpu.vector_load %arg5[%swap3A_239] {strides = array<i32>} : memref<4096xf32, #tpu.memory_space<vmem>>, vector<16xf32>,
    tpu.vector_store %arg5[%swap3A_239], %broadcast_in_dim3A_59 {strides = array<i32>} : memref<4096xf32, #tpu.memory_space<vmem>>, vector<16xf32>,
    %swap3A_241 = arith.constant 1456 : index
    %swap3A_242 = tpu.vector_load %arg5[%swap3A_241] {strides = array<i32>} : memref<4096xf32, #tpu.memory_space<vmem>>, vector<16xf32>,
    tpu.vector_store %arg5[%swap3A_241], %broadcast_in_dim3A_59 {strides = array<i32>} : memref<4096xf32, #tpu.memory_space<vmem>>, vector<16xf32>,
    %swap3A_243 = arith.constant 1472 : index
    %swap3A_244 = tpu.vector_load %arg5[%swap3A_243] {strides = array<i32>} : memref<4096xf32, #tpu.memory_space<vmem>>, vector<16xf32>,
    tpu.vector_store %arg5[%swap3A_243], %broadcast_in_dim3A_59 {strides = array<i32>} : memref<4096xf32, #tpu.memory_space<vmem>>, vector<16xf32>,
    %swap3A_245 = arith.constant 1488 : index
    %swap3A_246 = tpu.vector_load %arg5[%swap3A_245] {strides = array<i32>} : memref<4096xf32, #tpu.memory_space<vmem>>, vector<16xf32>,
    tpu.vector_store %arg5[%swap3A_245], %broadcast_in_dim3A_59 {strides = array<i32>} : memref<4096xf32, #tpu.memory_space<vmem>>, vector<16xf32>,
    %swap3A_247 = arith.constant 1504 : index
    %swap3A_248 = tpu.vector_load %arg5[%swap3A_247] {strides = array<i32>} : memref<4096xf32, #tpu.memory_space<vmem>>, vector<16xf32>,
    tpu.vector_store %arg5[%swap3A_247], %broadcast_in_dim3A_59 {strides = array<i32>} : memref<4096xf32, #tpu.memory_space<vmem>>, vector<16xf32>,
    %swap3A_249 = arith.constant 1520 : index
    %swap3A_250 = tpu.vector_load %arg5[%swap3A_249] {strides = array<i32>} : memref<4096xf32, #tpu.memory_space<vmem>>, vector<16xf32>,
    tpu.vector_store %arg5[%swap3A_249], %broadcast_in_dim3A_59 {strides = array<i32>} : memref<4096xf32, #tpu.memory_space<vmem>>, vector<16xf32>,
    %swap3A_251 = arith.constant 1536 : index
    %swap3A_252 = tpu.vector_load %arg5[%swap3A_251] {strides = array<i32>} : memref<4096xf32, #tpu.memory_space<vmem>>, vector<16xf32>,
    tpu.vector_store %arg5[%swap3A_251], %broadcast_in_dim3A_59 {strides = array<i32>} : memref<4096xf32, #tpu.memory_space<vmem>>, vector<16xf32>,
    %swap3A_253 = arith.constant 1552 : index
    %swap3A_254 = tpu.vector_load %arg5[%swap3A_253] {strides = array<i32>} : memref<4096xf32, #tpu.memory_space<vmem>>, vector<16xf32>,
    tpu.vector_store %arg5[%swap3A_253], %broadcast_in_dim3A_59 {strides = array<i32>} : memref<4096xf32, #tpu.memory_space<vmem>>, vector<16xf32>,
    %swap3A_255 = arith.constant 1568 : index
    %swap3A_256 = tpu.vector_load %arg5[%swap3A_255] {strides = array<i32>} : memref<4096xf32, #tpu.memory_space<vmem>>, vector<16xf32>,
    tpu.vector_store %arg5[%swap3A_255], %broadcast_in_dim3A_59 {strides = array<i32>} : memref<4096xf32, #tpu.memory_space<vmem>>, vector<16xf32>,
    %swap3A_257 = arith.constant 1584 : index
    %swap3A_258 = tpu.vector_load %arg5[%swap3A_257] {strides = array<i32>} : memref<4096xf32, #tpu.memory_space<vmem>>, vector<16xf32>,
    tpu.vector_store %arg5[%swap3A_257], %broadcast_in_dim3A_59 {strides = array<i32>} : memref<4096xf32, #tpu.memory_space<vmem>>, vector<16xf32>,
    %swap3A_259 = arith.constant 1600 : index
    %swap3A_260 = tpu.vector_load %arg5[%swap3A_259] {strides = array<i32>} : memref<4096xf32, #tpu.memory_space<vmem>>, vector<16xf32>,
    tpu.vector_store %arg5[%swap3A_259], %broadcast_in_dim3A_59 {strides = array<i32>} : memref<4096xf32, #tpu.memory_space<vmem>>, vector<16xf32>,
    %swap3A_261 = arith.constant 1616 : index
    %swap3A_262 = tpu.vector_load %arg5[%swap3A_261] {strides = array<i32>} : memref<4096xf32, #tpu.memory_space<vmem>>, vector<16xf32>,
    tpu.vector_store %arg5[%swap3A_261], %broadcast_in_dim3A_59 {strides = array<i32>} : memref<4096xf32, #tpu.memory_space<vmem>>, vector<16xf32>,
    %swap3A_263 = arith.constant 1632 : index
    %swap3A_264 = tpu.vector_load %arg5[%swap3A_263] {strides = array<i32>} : memref<4096xf32, #tpu.memory_space<vmem>>, vector<16xf32>,
    tpu.vector_store %arg5[%swap3A_263], %broadcast_in_dim3A_59 {strides = array<i32>} : memref<4096xf32, #tpu.memory_space<vmem>>, vector<16xf32>,
    %swap3A_265 = arith.constant 1648 : index
    %swap3A_266 = tpu.vector_load %arg5[%swap3A_265] {strides = array<i32>} : memref<4096xf32, #tpu.memory_space<vmem>>, vector<16xf32>,
    tpu.vector_store %arg5[%swap3A_265], %broadcast_in_dim3A_59 {strides = array<i32>} : memref<4096xf32, #tpu.memory_space<vmem>>, vector<16xf32>,
    %swap3A_267 = arith.constant 1664 : index
    %swap3A_268 = tpu.vector_load %arg5[%swap3A_267] {strides = array<i32>} : memref<4096xf32, #tpu.memory_space<vmem>>, vector<16xf32>,
    tpu.vector_store %arg5[%swap3A_267], %broadcast_in_dim3A_59 {strides = array<i32>} : memref<4096xf32, #tpu.memory_space<vmem>>, vector<16xf32>,
    %swap3A_269 = arith.constant 1680 : index
    %swap3A_270 = tpu.vector_load %arg5[%swap3A_269] {strides = array<i32>} : memref<4096xf32, #tpu.memory_space<vmem>>, vector<16xf32>,
    tpu.vector_store %arg5[%swap3A_269], %broadcast_in_dim3A_59 {strides = array<i32>} : memref<4096xf32, #tpu.memory_space<vmem>>, vector<16xf32>,
    %swap3A_271 = arith.constant 1696 : index
    %swap3A_272 = tpu.vector_load %arg5[%swap3A_271] {strides = array<i32>} : memref<4096xf32, #tpu.memory_space<vmem>>, vector<16xf32>,
    tpu.vector_store %arg5[%swap3A_271], %broadcast_in_dim3A_59 {strides = array<i32>} : memref<4096xf32, #tpu.memory_space<vmem>>, vector<16xf32>,
    %swap3A_273 = arith.constant 1712 : index
    %swap3A_274 = tpu.vector_load %arg5[%swap3A_273] {strides = array<i32>} : memref<4096xf32, #tpu.memory_space<vmem>>, vector<16xf32>,
    tpu.vector_store %arg5[%swap3A_273], %broadcast_in_dim3A_59 {strides = array<i32>} : memref<4096xf32, #tpu.memory_space<vmem>>, vector<16xf32>,
    %swap3A_275 = arith.constant 1728 : index
    %swap3A_276 = tpu.vector_load %arg5[%swap3A_275] {strides = array<i32>} : memref<4096xf32, #tpu.memory_space<vmem>>, vector<16xf32>,
    tpu.vector_store %arg5[%swap3A_275], %broadcast_in_dim3A_59 {strides = array<i32>} : memref<4096xf32, #tpu.memory_space<vmem>>, vector<16xf32>,
    %swap3A_277 = arith.constant 1744 : index
    %swap3A_278 = tpu.vector_load %arg5[%swap3A_277] {strides = array<i32>} : memref<4096xf32, #tpu.memory_space<vmem>>, vector<16xf32>,
    tpu.vector_store %arg5[%swap3A_277], %broadcast_in_dim3A_59 {strides = array<i32>} : memref<4096xf32, #tpu.memory_space<vmem>>, vector<16xf32>,
    %swap3A_279 = arith.constant 1760 : index
    %swap3A_280 = tpu.vector_load %arg5[%swap3A_279] {strides = array<i32>} : memref<4096xf32, #tpu.memory_space<vmem>>, vector<16xf32>,
    tpu.vector_store %arg5[%swap3A_279], %broadcast_in_dim3A_59 {strides = array<i32>} : memref<4096xf32, #tpu.memory_space<vmem>>, vector<16xf32>,
    %swap3A_281 = arith.constant 1776 : index
    %swap3A_282 = tpu.vector_load %arg5[%swap3A_281] {strides = array<i32>} : memref<4096xf32, #tpu.memory_space<vmem>>, vector<16xf32>,
    tpu.vector_store %arg5[%swap3A_281], %broadcast_in_dim3A_59 {strides = array<i32>} : memref<4096xf32, #tpu.memory_space<vmem>>, vector<16xf32>,
    %swap3A_283 = arith.constant 1792 : index
    %swap3A_284 = tpu.vector_load %arg5[%swap3A_283] {strides = array<i32>} : memref<4096xf32, #tpu.memory_space<vmem>>, vector<16xf32>,
    tpu.vector_store %arg5[%swap3A_283], %broadcast_in_dim3A_59 {strides = array<i32>} : memref<4096xf32, #tpu.memory_space<vmem>>, vector<16xf32>,
    %swap3A_285 = arith.constant 1808 : index
    %swap3A_286 = tpu.vector_load %arg5[%swap3A_285] {strides = array<i32>} : memref<4096xf32, #tpu.memory_space<vmem>>, vector<16xf32>,
    tpu.vector_store %arg5[%swap3A_285], %broadcast_in_dim3A_59 {strides = array<i32>} : memref<4096xf32, #tpu.memory_space<vmem>>, vector<16xf32>,
    %swap3A_287 = arith.constant 1824 : index
    %swap3A_288 = tpu.vector_load %arg5[%swap3A_287] {strides = array<i32>} : memref<4096xf32, #tpu.memory_space<vmem>>, vector<16xf32>,
    tpu.vector_store %arg5[%swap3A_287], %broadcast_in_dim3A_59 {strides = array<i32>} : memref<4096xf32, #tpu.memory_space<vmem>>, vector<16xf32>,
    %swap3A_289 = arith.constant 1840 : index
    %swap3A_290 = tpu.vector_load %arg5[%swap3A_289] {strides = array<i32>} : memref<4096xf32, #tpu.memory_space<vmem>>, vector<16xf32>,
    tpu.vector_store %arg5[%swap3A_289], %broadcast_in_dim3A_59 {strides = array<i32>} : memref<4096xf32, #tpu.memory_space<vmem>>, vector<16xf32>,
    %swap3A_291 = arith.constant 1856 : index
    %swap3A_292 = tpu.vector_load %arg5[%swap3A_291] {strides = array<i32>} : memref<4096xf32, #tpu.memory_space<vmem>>, vector<16xf32>,
    tpu.vector_store %arg5[%swap3A_291], %broadcast_in_dim3A_59 {strides = array<i32>} : memref<4096xf32, #tpu.memory_space<vmem>>, vector<16xf32>,
    %swap3A_293 = arith.constant 1872 : index
    %swap3A_294 = tpu.vector_load %arg5[%swap3A_293] {strides = array<i32>} : memref<4096xf32, #tpu.memory_space<vmem>>, vector<16xf32>,
    tpu.vector_store %arg5[%swap3A_293], %broadcast_in_dim3A_59 {strides = array<i32>} : memref<4096xf32, #tpu.memory_space<vmem>>, vector<16xf32>,
    %swap3A_295 = arith.constant 1888 : index
    %swap3A_296 = tpu.vector_load %arg5[%swap3A_295] {strides = array<i32>} : memref<4096xf32, #tpu.memory_space<vmem>>, vector<16xf32>,
    tpu.vector_store %arg5[%swap3A_295], %broadcast_in_dim3A_59 {strides = array<i32>} : memref<4096xf32, #tpu.memory_space<vmem>>, vector<16xf32>,
    %swap3A_297 = arith.constant 1904 : index
    %swap3A_298 = tpu.vector_load %arg5[%swap3A_297] {strides = array<i32>} : memref<4096xf32, #tpu.memory_space<vmem>>, vector<16xf32>,
    tpu.vector_store %arg5[%swap3A_297], %broadcast_in_dim3A_59 {strides = array<i32>} : memref<4096xf32, #tpu.memory_space<vmem>>, vector<16xf32>,
    %swap3A_299 = arith.constant 1920 : index
    %swap3A_300 = tpu.vector_load %arg5[%swap3A_299] {strides = array<i32>} : memref<4096xf32, #tpu.memory_space<vmem>>, vector<16xf32>,
    tpu.vector_store %arg5[%swap3A_299], %broadcast_in_dim3A_59 {strides = array<i32>} : memref<4096xf32, #tpu.memory_space<vmem>>, vector<16xf32>,
    %swap3A_301 = arith.constant 1936 : index
    %swap3A_302 = tpu.vector_load %arg5[%swap3A_301] {strides = array<i32>} : memref<4096xf32, #tpu.memory_space<vmem>>, vector<16xf32>,
    tpu.vector_store %arg5[%swap3A_301], %broadcast_in_dim3A_59 {strides = array<i32>} : memref<4096xf32, #tpu.memory_space<vmem>>, vector<16xf32>,
    %swap3A_303 = arith.constant 1952 : index
    %swap3A_304 = tpu.vector_load %arg5[%swap3A_303] {strides = array<i32>} : memref<4096xf32, #tpu.memory_space<vmem>>, vector<16xf32>,
    tpu.vector_store %arg5[%swap3A_303], %broadcast_in_dim3A_59 {strides = array<i32>} : memref<4096xf32, #tpu.memory_space<vmem>>, vector<16xf32>,
    %swap3A_305 = arith.constant 1968 : index
    %swap3A_306 = tpu.vector_load %arg5[%swap3A_305] {strides = array<i32>} : memref<4096xf32, #tpu.memory_space<vmem>>, vector<16xf32>,
    tpu.vector_store %arg5[%swap3A_305], %broadcast_in_dim3A_59 {strides = array<i32>} : memref<4096xf32, #tpu.memory_space<vmem>>, vector<16xf32>,
    %swap3A_307 = arith.constant 1984 : index
    %swap3A_308 = tpu.vector_load %arg5[%swap3A_307] {strides = array<i32>} : memref<4096xf32, #tpu.memory_space<vmem>>, vector<16xf32>,
    tpu.vector_store %arg5[%swap3A_307], %broadcast_in_dim3A_59 {strides = array<i32>} : memref<4096xf32, #tpu.memory_space<vmem>>, vector<16xf32>,
    %swap3A_309 = arith.constant 2000 : index
    %swap3A_310 = tpu.vector_load %arg5[%swap3A_309] {strides = array<i32>} : memref<4096xf32, #tpu.memory_space<vmem>>, vector<16xf32>,
    tpu.vector_store %arg5[%swap3A_309], %broadcast_in_dim3A_59 {strides = array<i32>} : memref<4096xf32, #tpu.memory_space<vmem>>, vector<16xf32>,
    %swap3A_311 = arith.constant 2016 : index
    %swap3A_312 = tpu.vector_load %arg5[%swap3A_311] {strides = array<i32>} : memref<4096xf32, #tpu.memory_space<vmem>>, vector<16xf32>,
    tpu.vector_store %arg5[%swap3A_311], %broadcast_in_dim3A_59 {strides = array<i32>} : memref<4096xf32, #tpu.memory_space<vmem>>, vector<16xf32>,
    %swap3A_313 = arith.constant 2032 : index
    %swap3A_314 = tpu.vector_load %arg5[%swap3A_313] {strides = array<i32>} : memref<4096xf32, #tpu.memory_space<vmem>>, vector<16xf32>,
    tpu.vector_store %arg5[%swap3A_313], %broadcast_in_dim3A_59 {strides = array<i32>} : memref<4096xf32, #tpu.memory_space<vmem>>, vector<16xf32>,
    %swap3A_315 = arith.constant 2048 : index
    %swap3A_316 = tpu.vector_load %arg5[%swap3A_315] {strides = array<i32>} : memref<4096xf32, #tpu.memory_space<vmem>>, vector<16xf32>,
    tpu.vector_store %arg5[%swap3A_315], %broadcast_in_dim3A_59 {strides = array<i32>} : memref<4096xf32, #tpu.memory_space<vmem>>, vector<16xf32>,
    %swap3A_317 = arith.constant 2064 : index
    %swap3A_318 = tpu.vector_load %arg5[%swap3A_317] {strides = array<i32>} : memref<4096xf32, #tpu.memory_space<vmem>>, vector<16xf32>,
    tpu.vector_store %arg5[%swap3A_317], %broadcast_in_dim3A_59 {strides = array<i32>} : memref<4096xf32, #tpu.memory_space<vmem>>, vector<16xf32>,
    %swap3A_319 = arith.constant 2080 : index
    %swap3A_320 = tpu.vector_load %arg5[%swap3A_319] {strides = array<i32>} : memref<4096xf32, #tpu.memory_space<vmem>>, vector<16xf32>,
    tpu.vector_store %arg5[%swap3A_319], %broadcast_in_dim3A_59 {strides = array<i32>} : memref<4096xf32, #tpu.memory_space<vmem>>, vector<16xf32>,
    %swap3A_321 = arith.constant 2096 : index
    %swap3A_322 = tpu.vector_load %arg5[%swap3A_321] {strides = array<i32>} : memref<4096xf32, #tpu.memory_space<vmem>>, vector<16xf32>,
    tpu.vector_store %arg5[%swap3A_321], %broadcast_in_dim3A_59 {strides = array<i32>} : memref<4096xf32, #tpu.memory_space<vmem>>, vector<16xf32>,
    %swap3A_323 = arith.constant 2112 : index
    %swap3A_324 = tpu.vector_load %arg5[%swap3A_323] {strides = array<i32>} : memref<4096xf32, #tpu.memory_space<vmem>>, vector<16xf32>,
    tpu.vector_store %arg5[%swap3A_323], %broadcast_in_dim3A_59 {strides = array<i32>} : memref<4096xf32, #tpu.memory_space<vmem>>, vector<16xf32>,
    %swap3A_325 = arith.constant 2128 : index
    %swap3A_326 = tpu.vector_load %arg5[%swap3A_325] {strides = array<i32>} : memref<4096xf32, #tpu.memory_space<vmem>>, vector<16xf32>,
    tpu.vector_store %arg5[%swap3A_325], %broadcast_in_dim3A_59 {strides = array<i32>} : memref<4096xf32, #tpu.memory_space<vmem>>, vector<16xf32>,
    %swap3A_327 = arith.constant 2144 : index
    %swap3A_328 = tpu.vector_load %arg5[%swap3A_327] {strides = array<i32>} : memref<4096xf32, #tpu.memory_space<vmem>>, vector<16xf32>,
    tpu.vector_store %arg5[%swap3A_327], %broadcast_in_dim3A_59 {strides = array<i32>} : memref<4096xf32, #tpu.memory_space<vmem>>, vector<16xf32>,
    %swap3A_329 = arith.constant 2160 : index
    %swap3A_330 = tpu.vector_load %arg5[%swap3A_329] {strides = array<i32>} : memref<4096xf32, #tpu.memory_space<vmem>>, vector<16xf32>,
    tpu.vector_store %arg5[%swap3A_329], %broadcast_in_dim3A_59 {strides = array<i32>} : memref<4096xf32, #tpu.memory_space<vmem>>, vector<16xf32>,
    %swap3A_331 = arith.constant 2176 : index
    %swap3A_332 = tpu.vector_load %arg5[%swap3A_331] {strides = array<i32>} : memref<4096xf32, #tpu.memory_space<vmem>>, vector<16xf32>,
    tpu.vector_store %arg5[%swap3A_331], %broadcast_in_dim3A_59 {strides = array<i32>} : memref<4096xf32, #tpu.memory_space<vmem>>, vector<16xf32>,
    %swap3A_333 = arith.constant 2192 : index
    %swap3A_334 = tpu.vector_load %arg5[%swap3A_333] {strides = array<i32>} : memref<4096xf32, #tpu.memory_space<vmem>>, vector<16xf32>,
    tpu.vector_store %arg5[%swap3A_333], %broadcast_in_dim3A_59 {strides = array<i32>} : memref<4096xf32, #tpu.memory_space<vmem>>, vector<16xf32>,
    %swap3A_335 = arith.constant 2208 : index
    %swap3A_336 = tpu.vector_load %arg5[%swap3A_335] {strides = array<i32>} : memref<4096xf32, #tpu.memory_space<vmem>>, vector<16xf32>,
    tpu.vector_store %arg5[%swap3A_335], %broadcast_in_dim3A_59 {strides = array<i32>} : memref<4096xf32, #tpu.memory_space<vmem>>, vector<16xf32>,
    %swap3A_337 = arith.constant 2224 : index
    %swap3A_338 = tpu.vector_load %arg5[%swap3A_337] {strides = array<i32>} : memref<4096xf32, #tpu.memory_space<vmem>>, vector<16xf32>,
    tpu.vector_store %arg5[%swap3A_337], %broadcast_in_dim3A_59 {strides = array<i32>} : memref<4096xf32, #tpu.memory_space<vmem>>, vector<16xf32>,
    %swap3A_339 = arith.constant 2240 : index
    %swap3A_340 = tpu.vector_load %arg5[%swap3A_339] {strides = array<i32>} : memref<4096xf32, #tpu.memory_space<vmem>>, vector<16xf32>,
    tpu.vector_store %arg5[%swap3A_339], %broadcast_in_dim3A_59 {strides = array<i32>} : memref<4096xf32, #tpu.memory_space<vmem>>, vector<16xf32>,
    %swap3A_341 = arith.constant 2256 : index
    %swap3A_342 = tpu.vector_load %arg5[%swap3A_341] {strides = array<i32>} : memref<4096xf32, #tpu.memory_space<vmem>>, vector<16xf32>,
    tpu.vector_store %arg5[%swap3A_341], %broadcast_in_dim3A_59 {strides = array<i32>} : memref<4096xf32, #tpu.memory_space<vmem>>, vector<16xf32>,
    %swap3A_343 = arith.constant 2272 : index
    %swap3A_344 = tpu.vector_load %arg5[%swap3A_343] {strides = array<i32>} : memref<4096xf32, #tpu.memory_space<vmem>>, vector<16xf32>,
    tpu.vector_store %arg5[%swap3A_343], %broadcast_in_dim3A_59 {strides = array<i32>} : memref<4096xf32, #tpu.memory_space<vmem>>, vector<16xf32>,
    %swap3A_345 = arith.constant 2288 : index
    %swap3A_346 = tpu.vector_load %arg5[%swap3A_345] {strides = array<i32>} : memref<4096xf32, #tpu.memory_space<vmem>>, vector<16xf32>,
    tpu.vector_store %arg5[%swap3A_345], %broadcast_in_dim3A_59 {strides = array<i32>} : memref<4096xf32, #tpu.memory_space<vmem>>, vector<16xf32>,
    %swap3A_347 = arith.constant 2304 : index
    %swap3A_348 = tpu.vector_load %arg5[%swap3A_347] {strides = array<i32>} : memref<4096xf32, #tpu.memory_space<vmem>>, vector<16xf32>,
    tpu.vector_store %arg5[%swap3A_347], %broadcast_in_dim3A_59 {strides = array<i32>} : memref<4096xf32, #tpu.memory_space<vmem>>, vector<16xf32>,
    %swap3A_349 = arith.constant 2320 : index
    %swap3A_350 = tpu.vector_load %arg5[%swap3A_349] {strides = array<i32>} : memref<4096xf32, #tpu.memory_space<vmem>>, vector<16xf32>,
    tpu.vector_store %arg5[%swap3A_349], %broadcast_in_dim3A_59 {strides = array<i32>} : memref<4096xf32, #tpu.memory_space<vmem>>, vector<16xf32>,
    %swap3A_351 = arith.constant 2336 : index
    %swap3A_352 = tpu.vector_load %arg5[%swap3A_351] {strides = array<i32>} : memref<4096xf32, #tpu.memory_space<vmem>>, vector<16xf32>,
    tpu.vector_store %arg5[%swap3A_351], %broadcast_in_dim3A_59 {strides = array<i32>} : memref<4096xf32, #tpu.memory_space<vmem>>, vector<16xf32>,
    %swap3A_353 = arith.constant 2352 : index
    %swap3A_354 = tpu.vector_load %arg5[%swap3A_353] {strides = array<i32>} : memref<4096xf32, #tpu.memory_space<vmem>>, vector<16xf32>,
    tpu.vector_store %arg5[%swap3A_353], %broadcast_in_dim3A_59 {strides = array<i32>} : memref<4096xf32, #tpu.memory_space<vmem>>, vector<16xf32>,
    %swap3A_355 = arith.constant 2368 : index
    %swap3A_356 = tpu.vector_load %arg5[%swap3A_355] {strides = array<i32>} : memref<4096xf32, #tpu.memory_space<vmem>>, vector<16xf32>,
    tpu.vector_store %arg5[%swap3A_355], %broadcast_in_dim3A_59 {strides = array<i32>} : memref<4096xf32, #tpu.memory_space<vmem>>, vector<16xf32>,
    %swap3A_357 = arith.constant 2384 : index
    %swap3A_358 = tpu.vector_load %arg5[%swap3A_357] {strides = array<i32>} : memref<4096xf32, #tpu.memory_space<vmem>>, vector<16xf32>,
    tpu.vector_store %arg5[%swap3A_357], %broadcast_in_dim3A_59 {strides = array<i32>} : memref<4096xf32, #tpu.memory_space<vmem>>, vector<16xf32>,
    %swap3A_359 = arith.constant 2400 : index
    %swap3A_360 = tpu.vector_load %arg5[%swap3A_359] {strides = array<i32>} : memref<4096xf32, #tpu.memory_space<vmem>>, vector<16xf32>,
    tpu.vector_store %arg5[%swap3A_359], %broadcast_in_dim3A_59 {strides = array<i32>} : memref<4096xf32, #tpu.memory_space<vmem>>, vector<16xf32>,
    %swap3A_361 = arith.constant 2416 : index
    %swap3A_362 = tpu.vector_load %arg5[%swap3A_361] {strides = array<i32>} : memref<4096xf32, #tpu.memory_space<vmem>>, vector<16xf32>,
    tpu.vector_store %arg5[%swap3A_361], %broadcast_in_dim3A_59 {strides = array<i32>} : memref<4096xf32, #tpu.memory_space<vmem>>, vector<16xf32>,
    %swap3A_363 = arith.constant 2432 : index
    %swap3A_364 = tpu.vector_load %arg5[%swap3A_363] {strides = array<i32>} : memref<4096xf32, #tpu.memory_space<vmem>>, vector<16xf32>,
    tpu.vector_store %arg5[%swap3A_363], %broadcast_in_dim3A_59 {strides = array<i32>} : memref<4096xf32, #tpu.memory_space<vmem>>, vector<16xf32>,
    %swap3A_365 = arith.constant 2448 : index
    %swap3A_366 = tpu.vector_load %arg5[%swap3A_365] {strides = array<i32>} : memref<4096xf32, #tpu.memory_space<vmem>>, vector<16xf32>,
    tpu.vector_store %arg5[%swap3A_365], %broadcast_in_dim3A_59 {strides = array<i32>} : memref<4096xf32, #tpu.memory_space<vmem>>, vector<16xf32>,
    %swap3A_367 = arith.constant 2464 : index
    %swap3A_368 = tpu.vector_load %arg5[%swap3A_367] {strides = array<i32>} : memref<4096xf32, #tpu.memory_space<vmem>>, vector<16xf32>,
    tpu.vector_store %arg5[%swap3A_367], %broadcast_in_dim3A_59 {strides = array<i32>} : memref<4096xf32, #tpu.memory_space<vmem>>, vector<16xf32>,
    %swap3A_369 = arith.constant 2480 : index
    %swap3A_370 = tpu.vector_load %arg5[%swap3A_369] {strides = array<i32>} : memref<4096xf32, #tpu.memory_space<vmem>>, vector<16xf32>,
    tpu.vector_store %arg5[%swap3A_369], %broadcast_in_dim3A_59 {strides = array<i32>} : memref<4096xf32, #tpu.memory_space<vmem>>, vector<16xf32>,
    %swap3A_371 = arith.constant 2496 : index
    %swap3A_372 = tpu.vector_load %arg5[%swap3A_371] {strides = array<i32>} : memref<4096xf32, #tpu.memory_space<vmem>>, vector<16xf32>,
    tpu.vector_store %arg5[%swap3A_371], %broadcast_in_dim3A_59 {strides = array<i32>} : memref<4096xf32, #tpu.memory_space<vmem>>, vector<16xf32>,
    %swap3A_373 = arith.constant 2512 : index
    %swap3A_374 = tpu.vector_load %arg5[%swap3A_373] {strides = array<i32>} : memref<4096xf32, #tpu.memory_space<vmem>>, vector<16xf32>,
    tpu.vector_store %arg5[%swap3A_373], %broadcast_in_dim3A_59 {strides = array<i32>} : memref<4096xf32, #tpu.memory_space<vmem>>, vector<16xf32>,
    %swap3A_375 = arith.constant 2528 : index
    %swap3A_376 = tpu.vector_load %arg5[%swap3A_375] {strides = array<i32>} : memref<4096xf32, #tpu.memory_space<vmem>>, vector<16xf32>,
    tpu.vector_store %arg5[%swap3A_375], %broadcast_in_dim3A_59 {strides = array<i32>} : memref<4096xf32, #tpu.memory_space<vmem>>, vector<16xf32>,
    %swap3A_377 = arith.constant 2544 : index
    %swap3A_378 = tpu.vector_load %arg5[%swap3A_377] {strides = array<i32>} : memref<4096xf32, #tpu.memory_space<vmem>>, vector<16xf32>,
    tpu.vector_store %arg5[%swap3A_377], %broadcast_in_dim3A_59 {strides = array<i32>} : memref<4096xf32, #tpu.memory_space<vmem>>, vector<16xf32>,
    %swap3A_379 = arith.constant 2560 : index
    %swap3A_380 = tpu.vector_load %arg5[%swap3A_379] {strides = array<i32>} : memref<4096xf32, #tpu.memory_space<vmem>>, vector<16xf32>,
    tpu.vector_store %arg5[%swap3A_379], %broadcast_in_dim3A_59 {strides = array<i32>} : memref<4096xf32, #tpu.memory_space<vmem>>, vector<16xf32>,
    %swap3A_381 = arith.constant 2576 : index
    %swap3A_382 = tpu.vector_load %arg5[%swap3A_381] {strides = array<i32>} : memref<4096xf32, #tpu.memory_space<vmem>>, vector<16xf32>,
    tpu.vector_store %arg5[%swap3A_381], %broadcast_in_dim3A_59 {strides = array<i32>} : memref<4096xf32, #tpu.memory_space<vmem>>, vector<16xf32>,
    %swap3A_383 = arith.constant 2592 : index
    %swap3A_384 = tpu.vector_load %arg5[%swap3A_383] {strides = array<i32>} : memref<4096xf32, #tpu.memory_space<vmem>>, vector<16xf32>,
    tpu.vector_store %arg5[%swap3A_383], %broadcast_in_dim3A_59 {strides = array<i32>} : memref<4096xf32, #tpu.memory_space<vmem>>, vector<16xf32>,
    %swap3A_385 = arith.constant 2608 : index
    %swap3A_386 = tpu.vector_load %arg5[%swap3A_385] {strides = array<i32>} : memref<4096xf32, #tpu.memory_space<vmem>>, vector<16xf32>,
    tpu.vector_store %arg5[%swap3A_385], %broadcast_in_dim3A_59 {strides = array<i32>} : memref<4096xf32, #tpu.memory_space<vmem>>, vector<16xf32>,
    %swap3A_387 = arith.constant 2624 : index
    %swap3A_388 = tpu.vector_load %arg5[%swap3A_387] {strides = array<i32>} : memref<4096xf32, #tpu.memory_space<vmem>>, vector<16xf32>,
    tpu.vector_store %arg5[%swap3A_387], %broadcast_in_dim3A_59 {strides = array<i32>} : memref<4096xf32, #tpu.memory_space<vmem>>, vector<16xf32>,
    %swap3A_389 = arith.constant 2640 : index
    %swap3A_390 = tpu.vector_load %arg5[%swap3A_389] {strides = array<i32>} : memref<4096xf32, #tpu.memory_space<vmem>>, vector<16xf32>,
    tpu.vector_store %arg5[%swap3A_389], %broadcast_in_dim3A_59 {strides = array<i32>} : memref<4096xf32, #tpu.memory_space<vmem>>, vector<16xf32>,
    %swap3A_391 = arith.constant 2656 : index
    %swap3A_392 = tpu.vector_load %arg5[%swap3A_391] {strides = array<i32>} : memref<4096xf32, #tpu.memory_space<vmem>>, vector<16xf32>,
    tpu.vector_store %arg5[%swap3A_391], %broadcast_in_dim3A_59 {strides = array<i32>} : memref<4096xf32, #tpu.memory_space<vmem>>, vector<16xf32>,
    %swap3A_393 = arith.constant 2672 : index
    %swap3A_394 = tpu.vector_load %arg5[%swap3A_393] {strides = array<i32>} : memref<4096xf32, #tpu.memory_space<vmem>>, vector<16xf32>,
    tpu.vector_store %arg5[%swap3A_393], %broadcast_in_dim3A_59 {strides = array<i32>} : memref<4096xf32, #tpu.memory_space<vmem>>, vector<16xf32>,
    %swap3A_395 = arith.constant 2688 : index
    %swap3A_396 = tpu.vector_load %arg5[%swap3A_395] {strides = array<i32>} : memref<4096xf32, #tpu.memory_space<vmem>>, vector<16xf32>,
    tpu.vector_store %arg5[%swap3A_395], %broadcast_in_dim3A_59 {strides = array<i32>} : memref<4096xf32, #tpu.memory_space<vmem>>, vector<16xf32>,
    %swap3A_397 = arith.constant 2704 : index
    %swap3A_398 = tpu.vector_load %arg5[%swap3A_397] {strides = array<i32>} : memref<4096xf32, #tpu.memory_space<vmem>>, vector<16xf32>,
    tpu.vector_store %arg5[%swap3A_397], %broadcast_in_dim3A_59 {strides = array<i32>} : memref<4096xf32, #tpu.memory_space<vmem>>, vector<16xf32>,
    %swap3A_399 = arith.constant 2720 : index
    %swap3A_400 = tpu.vector_load %arg5[%swap3A_399] {strides = array<i32>} : memref<4096xf32, #tpu.memory_space<vmem>>, vector<16xf32>,
    tpu.vector_store %arg5[%swap3A_399], %broadcast_in_dim3A_59 {strides = array<i32>} : memref<4096xf32, #tpu.memory_space<vmem>>, vector<16xf32>,
    %swap3A_401 = arith.constant 2736 : index
    %swap3A_402 = tpu.vector_load %arg5[%swap3A_401] {strides = array<i32>} : memref<4096xf32, #tpu.memory_space<vmem>>, vector<16xf32>,
    tpu.vector_store %arg5[%swap3A_401], %broadcast_in_dim3A_59 {strides = array<i32>} : memref<4096xf32, #tpu.memory_space<vmem>>, vector<16xf32>,
    %swap3A_403 = arith.constant 2752 : index
    %swap3A_404 = tpu.vector_load %arg5[%swap3A_403] {strides = array<i32>} : memref<4096xf32, #tpu.memory_space<vmem>>, vector<16xf32>,
    tpu.vector_store %arg5[%swap3A_403], %broadcast_in_dim3A_59 {strides = array<i32>} : memref<4096xf32, #tpu.memory_space<vmem>>, vector<16xf32>,
    %swap3A_405 = arith.constant 2768 : index
    %swap3A_406 = tpu.vector_load %arg5[%swap3A_405] {strides = array<i32>} : memref<4096xf32, #tpu.memory_space<vmem>>, vector<16xf32>,
    tpu.vector_store %arg5[%swap3A_405], %broadcast_in_dim3A_59 {strides = array<i32>} : memref<4096xf32, #tpu.memory_space<vmem>>, vector<16xf32>,
    %swap3A_407 = arith.constant 2784 : index
    %swap3A_408 = tpu.vector_load %arg5[%swap3A_407] {strides = array<i32>} : memref<4096xf32, #tpu.memory_space<vmem>>, vector<16xf32>,
    tpu.vector_store %arg5[%swap3A_407], %broadcast_in_dim3A_59 {strides = array<i32>} : memref<4096xf32, #tpu.memory_space<vmem>>, vector<16xf32>,
    %swap3A_409 = arith.constant 2800 : index
    %swap3A_410 = tpu.vector_load %arg5[%swap3A_409] {strides = array<i32>} : memref<4096xf32, #tpu.memory_space<vmem>>, vector<16xf32>,
    tpu.vector_store %arg5[%swap3A_409], %broadcast_in_dim3A_59 {strides = array<i32>} : memref<4096xf32, #tpu.memory_space<vmem>>, vector<16xf32>,
    %swap3A_411 = arith.constant 2816 : index
    %swap3A_412 = tpu.vector_load %arg5[%swap3A_411] {strides = array<i32>} : memref<4096xf32, #tpu.memory_space<vmem>>, vector<16xf32>,
    tpu.vector_store %arg5[%swap3A_411], %broadcast_in_dim3A_59 {strides = array<i32>} : memref<4096xf32, #tpu.memory_space<vmem>>, vector<16xf32>,
    %swap3A_413 = arith.constant 2832 : index
    %swap3A_414 = tpu.vector_load %arg5[%swap3A_413] {strides = array<i32>} : memref<4096xf32, #tpu.memory_space<vmem>>, vector<16xf32>,
    tpu.vector_store %arg5[%swap3A_413], %broadcast_in_dim3A_59 {strides = array<i32>} : memref<4096xf32, #tpu.memory_space<vmem>>, vector<16xf32>,
    %swap3A_415 = arith.constant 2848 : index
    %swap3A_416 = tpu.vector_load %arg5[%swap3A_415] {strides = array<i32>} : memref<4096xf32, #tpu.memory_space<vmem>>, vector<16xf32>,
    tpu.vector_store %arg5[%swap3A_415], %broadcast_in_dim3A_59 {strides = array<i32>} : memref<4096xf32, #tpu.memory_space<vmem>>, vector<16xf32>,
    %swap3A_417 = arith.constant 2864 : index
    %swap3A_418 = tpu.vector_load %arg5[%swap3A_417] {strides = array<i32>} : memref<4096xf32, #tpu.memory_space<vmem>>, vector<16xf32>,
    tpu.vector_store %arg5[%swap3A_417], %broadcast_in_dim3A_59 {strides = array<i32>} : memref<4096xf32, #tpu.memory_space<vmem>>, vector<16xf32>,
    %swap3A_419 = arith.constant 2880 : index
    %swap3A_420 = tpu.vector_load %arg5[%swap3A_419] {strides = array<i32>} : memref<4096xf32, #tpu.memory_space<vmem>>, vector<16xf32>,
    tpu.vector_store %arg5[%swap3A_419], %broadcast_in_dim3A_59 {strides = array<i32>} : memref<4096xf32, #tpu.memory_space<vmem>>, vector<16xf32>,
    %swap3A_421 = arith.constant 2896 : index
    %swap3A_422 = tpu.vector_load %arg5[%swap3A_421] {strides = array<i32>} : memref<4096xf32, #tpu.memory_space<vmem>>, vector<16xf32>,
    tpu.vector_store %arg5[%swap3A_421], %broadcast_in_dim3A_59 {strides = array<i32>} : memref<4096xf32, #tpu.memory_space<vmem>>, vector<16xf32>,
    %swap3A_423 = arith.constant 2912 : index
    %swap3A_424 = tpu.vector_load %arg5[%swap3A_423] {strides = array<i32>} : memref<4096xf32, #tpu.memory_space<vmem>>, vector<16xf32>,
    tpu.vector_store %arg5[%swap3A_423], %broadcast_in_dim3A_59 {strides = array<i32>} : memref<4096xf32, #tpu.memory_space<vmem>>, vector<16xf32>,
    %swap3A_425 = arith.constant 2928 : index
    %swap3A_426 = tpu.vector_load %arg5[%swap3A_425] {strides = array<i32>} : memref<4096xf32, #tpu.memory_space<vmem>>, vector<16xf32>,
    tpu.vector_store %arg5[%swap3A_425], %broadcast_in_dim3A_59 {strides = array<i32>} : memref<4096xf32, #tpu.memory_space<vmem>>, vector<16xf32>,
    %swap3A_427 = arith.constant 2944 : index
    %swap3A_428 = tpu.vector_load %arg5[%swap3A_427] {strides = array<i32>} : memref<4096xf32, #tpu.memory_space<vmem>>, vector<16xf32>,
    tpu.vector_store %arg5[%swap3A_427], %broadcast_in_dim3A_59 {strides = array<i32>} : memref<4096xf32, #tpu.memory_space<vmem>>, vector<16xf32>,
    %swap3A_429 = arith.constant 2960 : index
    %swap3A_430 = tpu.vector_load %arg5[%swap3A_429] {strides = array<i32>} : memref<4096xf32, #tpu.memory_space<vmem>>, vector<16xf32>,
    tpu.vector_store %arg5[%swap3A_429], %broadcast_in_dim3A_59 {strides = array<i32>} : memref<4096xf32, #tpu.memory_space<vmem>>, vector<16xf32>,
    %swap3A_431 = arith.constant 2976 : index
    %swap3A_432 = tpu.vector_load %arg5[%swap3A_431] {strides = array<i32>} : memref<4096xf32, #tpu.memory_space<vmem>>, vector<16xf32>,
    tpu.vector_store %arg5[%swap3A_431], %broadcast_in_dim3A_59 {strides = array<i32>} : memref<4096xf32, #tpu.memory_space<vmem>>, vector<16xf32>,
    %swap3A_433 = arith.constant 2992 : index
    %swap3A_434 = tpu.vector_load %arg5[%swap3A_433] {strides = array<i32>} : memref<4096xf32, #tpu.memory_space<vmem>>, vector<16xf32>,
    tpu.vector_store %arg5[%swap3A_433], %broadcast_in_dim3A_59 {strides = array<i32>} : memref<4096xf32, #tpu.memory_space<vmem>>, vector<16xf32>,
    %swap3A_435 = arith.constant 3008 : index
    %swap3A_436 = tpu.vector_load %arg5[%swap3A_435] {strides = array<i32>} : memref<4096xf32, #tpu.memory_space<vmem>>, vector<16xf32>,
    tpu.vector_store %arg5[%swap3A_435], %broadcast_in_dim3A_59 {strides = array<i32>} : memref<4096xf32, #tpu.memory_space<vmem>>, vector<16xf32>,
    %swap3A_437 = arith.constant 3024 : index
    %swap3A_438 = tpu.vector_load %arg5[%swap3A_437] {strides = array<i32>} : memref<4096xf32, #tpu.memory_space<vmem>>, vector<16xf32>,
    tpu.vector_store %arg5[%swap3A_437], %broadcast_in_dim3A_59 {strides = array<i32>} : memref<4096xf32, #tpu.memory_space<vmem>>, vector<16xf32>,
    %swap3A_439 = arith.constant 3040 : index
    %swap3A_440 = tpu.vector_load %arg5[%swap3A_439] {strides = array<i32>} : memref<4096xf32, #tpu.memory_space<vmem>>, vector<16xf32>,
    tpu.vector_store %arg5[%swap3A_439], %broadcast_in_dim3A_59 {strides = array<i32>} : memref<4096xf32, #tpu.memory_space<vmem>>, vector<16xf32>,
    %swap3A_441 = arith.constant 3056 : index
    %swap3A_442 = tpu.vector_load %arg5[%swap3A_441] {strides = array<i32>} : memref<4096xf32, #tpu.memory_space<vmem>>, vector<16xf32>,
    tpu.vector_store %arg5[%swap3A_441], %broadcast_in_dim3A_59 {strides = array<i32>} : memref<4096xf32, #tpu.memory_space<vmem>>, vector<16xf32>,
    %swap3A_443 = arith.constant 3072 : index
    %swap3A_444 = tpu.vector_load %arg5[%swap3A_443] {strides = array<i32>} : memref<4096xf32, #tpu.memory_space<vmem>>, vector<16xf32>,
    tpu.vector_store %arg5[%swap3A_443], %broadcast_in_dim3A_59 {strides = array<i32>} : memref<4096xf32, #tpu.memory_space<vmem>>, vector<16xf32>,
    %swap3A_445 = arith.constant 3088 : index
    %swap3A_446 = tpu.vector_load %arg5[%swap3A_445] {strides = array<i32>} : memref<4096xf32, #tpu.memory_space<vmem>>, vector<16xf32>,
    tpu.vector_store %arg5[%swap3A_445], %broadcast_in_dim3A_59 {strides = array<i32>} : memref<4096xf32, #tpu.memory_space<vmem>>, vector<16xf32>,
    %swap3A_447 = arith.constant 3104 : index
    %swap3A_448 = tpu.vector_load %arg5[%swap3A_447] {strides = array<i32>} : memref<4096xf32, #tpu.memory_space<vmem>>, vector<16xf32>,
    tpu.vector_store %arg5[%swap3A_447], %broadcast_in_dim3A_59 {strides = array<i32>} : memref<4096xf32, #tpu.memory_space<vmem>>, vector<16xf32>,
    %swap3A_449 = arith.constant 3120 : index
    %swap3A_450 = tpu.vector_load %arg5[%swap3A_449] {strides = array<i32>} : memref<4096xf32, #tpu.memory_space<vmem>>, vector<16xf32>,
    tpu.vector_store %arg5[%swap3A_449], %broadcast_in_dim3A_59 {strides = array<i32>} : memref<4096xf32, #tpu.memory_space<vmem>>, vector<16xf32>,
    %swap3A_451 = arith.constant 3136 : index
    %swap3A_452 = tpu.vector_load %arg5[%swap3A_451] {strides = array<i32>} : memref<4096xf32, #tpu.memory_space<vmem>>, vector<16xf32>,
    tpu.vector_store %arg5[%swap3A_451], %broadcast_in_dim3A_59 {strides = array<i32>} : memref<4096xf32, #tpu.memory_space<vmem>>, vector<16xf32>,
    %swap3A_453 = arith.constant 3152 : index
    %swap3A_454 = tpu.vector_load %arg5[%swap3A_453] {strides = array<i32>} : memref<4096xf32, #tpu.memory_space<vmem>>, vector<16xf32>,
    tpu.vector_store %arg5[%swap3A_453], %broadcast_in_dim3A_59 {strides = array<i32>} : memref<4096xf32, #tpu.memory_space<vmem>>, vector<16xf32>,
    %swap3A_455 = arith.constant 3168 : index
    %swap3A_456 = tpu.vector_load %arg5[%swap3A_455] {strides = array<i32>} : memref<4096xf32, #tpu.memory_space<vmem>>, vector<16xf32>,
    tpu.vector_store %arg5[%swap3A_455], %broadcast_in_dim3A_59 {strides = array<i32>} : memref<4096xf32, #tpu.memory_space<vmem>>, vector<16xf32>,
    %swap3A_457 = arith.constant 3184 : index
    %swap3A_458 = tpu.vector_load %arg5[%swap3A_457] {strides = array<i32>} : memref<4096xf32, #tpu.memory_space<vmem>>, vector<16xf32>,
    tpu.vector_store %arg5[%swap3A_457], %broadcast_in_dim3A_59 {strides = array<i32>} : memref<4096xf32, #tpu.memory_space<vmem>>, vector<16xf32>,
    %swap3A_459 = arith.constant 3200 : index
    %swap3A_460 = tpu.vector_load %arg5[%swap3A_459] {strides = array<i32>} : memref<4096xf32, #tpu.memory_space<vmem>>, vector<16xf32>,
    tpu.vector_store %arg5[%swap3A_459], %broadcast_in_dim3A_59 {strides = array<i32>} : memref<4096xf32, #tpu.memory_space<vmem>>, vector<16xf32>,
    %swap3A_461 = arith.constant 3216 : index
    %swap3A_462 = tpu.vector_load %arg5[%swap3A_461] {strides = array<i32>} : memref<4096xf32, #tpu.memory_space<vmem>>, vector<16xf32>,
    tpu.vector_store %arg5[%swap3A_461], %broadcast_in_dim3A_59 {strides = array<i32>} : memref<4096xf32, #tpu.memory_space<vmem>>, vector<16xf32>,
    %swap3A_463 = arith.constant 3232 : index
    %swap3A_464 = tpu.vector_load %arg5[%swap3A_463] {strides = array<i32>} : memref<4096xf32, #tpu.memory_space<vmem>>, vector<16xf32>,
    tpu.vector_store %arg5[%swap3A_463], %broadcast_in_dim3A_59 {strides = array<i32>} : memref<4096xf32, #tpu.memory_space<vmem>>, vector<16xf32>,
    %swap3A_465 = arith.constant 3248 : index
    %swap3A_466 = tpu.vector_load %arg5[%swap3A_465] {strides = array<i32>} : memref<4096xf32, #tpu.memory_space<vmem>>, vector<16xf32>,
    tpu.vector_store %arg5[%swap3A_465], %broadcast_in_dim3A_59 {strides = array<i32>} : memref<4096xf32, #tpu.memory_space<vmem>>, vector<16xf32>,
    %swap3A_467 = arith.constant 3264 : index
    %swap3A_468 = tpu.vector_load %arg5[%swap3A_467] {strides = array<i32>} : memref<4096xf32, #tpu.memory_space<vmem>>, vector<16xf32>,
    tpu.vector_store %arg5[%swap3A_467], %broadcast_in_dim3A_59 {strides = array<i32>} : memref<4096xf32, #tpu.memory_space<vmem>>, vector<16xf32>,
    %swap3A_469 = arith.constant 3280 : index
    %swap3A_470 = tpu.vector_load %arg5[%swap3A_469] {strides = array<i32>} : memref<4096xf32, #tpu.memory_space<vmem>>, vector<16xf32>,
    tpu.vector_store %arg5[%swap3A_469], %broadcast_in_dim3A_59 {strides = array<i32>} : memref<4096xf32, #tpu.memory_space<vmem>>, vector<16xf32>,
    %swap3A_471 = arith.constant 3296 : index
    %swap3A_472 = tpu.vector_load %arg5[%swap3A_471] {strides = array<i32>} : memref<4096xf32, #tpu.memory_space<vmem>>, vector<16xf32>,
    tpu.vector_store %arg5[%swap3A_471], %broadcast_in_dim3A_59 {strides = array<i32>} : memref<4096xf32, #tpu.memory_space<vmem>>, vector<16xf32>,
    %swap3A_473 = arith.constant 3312 : index
    %swap3A_474 = tpu.vector_load %arg5[%swap3A_473] {strides = array<i32>} : memref<4096xf32, #tpu.memory_space<vmem>>, vector<16xf32>,
    tpu.vector_store %arg5[%swap3A_473], %broadcast_in_dim3A_59 {strides = array<i32>} : memref<4096xf32, #tpu.memory_space<vmem>>, vector<16xf32>,
    %swap3A_475 = arith.constant 3328 : index
    %swap3A_476 = tpu.vector_load %arg5[%swap3A_475] {strides = array<i32>} : memref<4096xf32, #tpu.memory_space<vmem>>, vector<16xf32>,
    tpu.vector_store %arg5[%swap3A_475], %broadcast_in_dim3A_59 {strides = array<i32>} : memref<4096xf32, #tpu.memory_space<vmem>>, vector<16xf32>,
    %swap3A_477 = arith.constant 3344 : index
    %swap3A_478 = tpu.vector_load %arg5[%swap3A_477] {strides = array<i32>} : memref<4096xf32, #tpu.memory_space<vmem>>, vector<16xf32>,
    tpu.vector_store %arg5[%swap3A_477], %broadcast_in_dim3A_59 {strides = array<i32>} : memref<4096xf32, #tpu.memory_space<vmem>>, vector<16xf32>,
    %swap3A_479 = arith.constant 3360 : index
    %swap3A_480 = tpu.vector_load %arg5[%swap3A_479] {strides = array<i32>} : memref<4096xf32, #tpu.memory_space<vmem>>, vector<16xf32>,
    tpu.vector_store %arg5[%swap3A_479], %broadcast_in_dim3A_59 {strides = array<i32>} : memref<4096xf32, #tpu.memory_space<vmem>>, vector<16xf32>,
    %swap3A_481 = arith.constant 3376 : index
    %swap3A_482 = tpu.vector_load %arg5[%swap3A_481] {strides = array<i32>} : memref<4096xf32, #tpu.memory_space<vmem>>, vector<16xf32>,
    tpu.vector_store %arg5[%swap3A_481], %broadcast_in_dim3A_59 {strides = array<i32>} : memref<4096xf32, #tpu.memory_space<vmem>>, vector<16xf32>,
    %swap3A_483 = arith.constant 3392 : index
    %swap3A_484 = tpu.vector_load %arg5[%swap3A_483] {strides = array<i32>} : memref<4096xf32, #tpu.memory_space<vmem>>, vector<16xf32>,
    tpu.vector_store %arg5[%swap3A_483], %broadcast_in_dim3A_59 {strides = array<i32>} : memref<4096xf32, #tpu.memory_space<vmem>>, vector<16xf32>,
    %swap3A_485 = arith.constant 3408 : index
    %swap3A_486 = tpu.vector_load %arg5[%swap3A_485] {strides = array<i32>} : memref<4096xf32, #tpu.memory_space<vmem>>, vector<16xf32>,
    tpu.vector_store %arg5[%swap3A_485], %broadcast_in_dim3A_59 {strides = array<i32>} : memref<4096xf32, #tpu.memory_space<vmem>>, vector<16xf32>,
    %swap3A_487 = arith.constant 3424 : index
    %swap3A_488 = tpu.vector_load %arg5[%swap3A_487] {strides = array<i32>} : memref<4096xf32, #tpu.memory_space<vmem>>, vector<16xf32>,
    tpu.vector_store %arg5[%swap3A_487], %broadcast_in_dim3A_59 {strides = array<i32>} : memref<4096xf32, #tpu.memory_space<vmem>>, vector<16xf32>,
    %swap3A_489 = arith.constant 3440 : index
    %swap3A_490 = tpu.vector_load %arg5[%swap3A_489] {strides = array<i32>} : memref<4096xf32, #tpu.memory_space<vmem>>, vector<16xf32>,
    tpu.vector_store %arg5[%swap3A_489], %broadcast_in_dim3A_59 {strides = array<i32>} : memref<4096xf32, #tpu.memory_space<vmem>>, vector<16xf32>,
    %swap3A_491 = arith.constant 3456 : index
    %swap3A_492 = tpu.vector_load %arg5[%swap3A_491] {strides = array<i32>} : memref<4096xf32, #tpu.memory_space<vmem>>, vector<16xf32>,
    tpu.vector_store %arg5[%swap3A_491], %broadcast_in_dim3A_59 {strides = array<i32>} : memref<4096xf32, #tpu.memory_space<vmem>>, vector<16xf32>,
    %swap3A_493 = arith.constant 3472 : index
    %swap3A_494 = tpu.vector_load %arg5[%swap3A_493] {strides = array<i32>} : memref<4096xf32, #tpu.memory_space<vmem>>, vector<16xf32>,
    tpu.vector_store %arg5[%swap3A_493], %broadcast_in_dim3A_59 {strides = array<i32>} : memref<4096xf32, #tpu.memory_space<vmem>>, vector<16xf32>,
    %swap3A_495 = arith.constant 3488 : index
    %swap3A_496 = tpu.vector_load %arg5[%swap3A_495] {strides = array<i32>} : memref<4096xf32, #tpu.memory_space<vmem>>, vector<16xf32>,
    tpu.vector_store %arg5[%swap3A_495], %broadcast_in_dim3A_59 {strides = array<i32>} : memref<4096xf32, #tpu.memory_space<vmem>>, vector<16xf32>,
    %swap3A_497 = arith.constant 3504 : index
    %swap3A_498 = tpu.vector_load %arg5[%swap3A_497] {strides = array<i32>} : memref<4096xf32, #tpu.memory_space<vmem>>, vector<16xf32>,
    tpu.vector_store %arg5[%swap3A_497], %broadcast_in_dim3A_59 {strides = array<i32>} : memref<4096xf32, #tpu.memory_space<vmem>>, vector<16xf32>,
    %swap3A_499 = arith.constant 3520 : index
    %swap3A_500 = tpu.vector_load %arg5[%swap3A_499] {strides = array<i32>} : memref<4096xf32, #tpu.memory_space<vmem>>, vector<16xf32>,
    tpu.vector_store %arg5[%swap3A_499], %broadcast_in_dim3A_59 {strides = array<i32>} : memref<4096xf32, #tpu.memory_space<vmem>>, vector<16xf32>,
    %swap3A_501 = arith.constant 3536 : index
    %swap3A_502 = tpu.vector_load %arg5[%swap3A_501] {strides = array<i32>} : memref<4096xf32, #tpu.memory_space<vmem>>, vector<16xf32>,
    tpu.vector_store %arg5[%swap3A_501], %broadcast_in_dim3A_59 {strides = array<i32>} : memref<4096xf32, #tpu.memory_space<vmem>>, vector<16xf32>,
    %swap3A_503 = arith.constant 3552 : index
    %swap3A_504 = tpu.vector_load %arg5[%swap3A_503] {strides = array<i32>} : memref<4096xf32, #tpu.memory_space<vmem>>, vector<16xf32>,
    tpu.vector_store %arg5[%swap3A_503], %broadcast_in_dim3A_59 {strides = array<i32>} : memref<4096xf32, #tpu.memory_space<vmem>>, vector<16xf32>,
    %swap3A_505 = arith.constant 3568 : index
    %swap3A_506 = tpu.vector_load %arg5[%swap3A_505] {strides = array<i32>} : memref<4096xf32, #tpu.memory_space<vmem>>, vector<16xf32>,
    tpu.vector_store %arg5[%swap3A_505], %broadcast_in_dim3A_59 {strides = array<i32>} : memref<4096xf32, #tpu.memory_space<vmem>>, vector<16xf32>,
    %swap3A_507 = arith.constant 3584 : index
    %swap3A_508 = tpu.vector_load %arg5[%swap3A_507] {strides = array<i32>} : memref<4096xf32, #tpu.memory_space<vmem>>, vector<16xf32>,
    tpu.vector_store %arg5[%swap3A_507], %broadcast_in_dim3A_59 {strides = array<i32>} : memref<4096xf32, #tpu.memory_space<vmem>>, vector<16xf32>,
    %swap3A_509 = arith.constant 3600 : index
    %swap3A_510 = tpu.vector_load %arg5[%swap3A_509] {strides = array<i32>} : memref<4096xf32, #tpu.memory_space<vmem>>, vector<16xf32>,
    tpu.vector_store %arg5[%swap3A_509], %broadcast_in_dim3A_59 {strides = array<i32>} : memref<4096xf32, #tpu.memory_space<vmem>>, vector<16xf32>,
    %swap3A_511 = arith.constant 3616 : index
    %swap3A_512 = tpu.vector_load %arg5[%swap3A_511] {strides = array<i32>} : memref<4096xf32, #tpu.memory_space<vmem>>, vector<16xf32>,
    tpu.vector_store %arg5[%swap3A_511], %broadcast_in_dim3A_59 {strides = array<i32>} : memref<4096xf32, #tpu.memory_space<vmem>>, vector<16xf32>,
    %swap3A_513 = arith.constant 3632 : index
    %swap3A_514 = tpu.vector_load %arg5[%swap3A_513] {strides = array<i32>} : memref<4096xf32, #tpu.memory_space<vmem>>, vector<16xf32>,
    tpu.vector_store %arg5[%swap3A_513], %broadcast_in_dim3A_59 {strides = array<i32>} : memref<4096xf32, #tpu.memory_space<vmem>>, vector<16xf32>,
    %swap3A_515 = arith.constant 3648 : index
    %swap3A_516 = tpu.vector_load %arg5[%swap3A_515] {strides = array<i32>} : memref<4096xf32, #tpu.memory_space<vmem>>, vector<16xf32>,
    tpu.vector_store %arg5[%swap3A_515], %broadcast_in_dim3A_59 {strides = array<i32>} : memref<4096xf32, #tpu.memory_space<vmem>>, vector<16xf32>,
    %swap3A_517 = arith.constant 3664 : index
    %swap3A_518 = tpu.vector_load %arg5[%swap3A_517] {strides = array<i32>} : memref<4096xf32, #tpu.memory_space<vmem>>, vector<16xf32>,
    tpu.vector_store %arg5[%swap3A_517], %broadcast_in_dim3A_59 {strides = array<i32>} : memref<4096xf32, #tpu.memory_space<vmem>>, vector<16xf32>,
    %swap3A_519 = arith.constant 3680 : index
    %swap3A_520 = tpu.vector_load %arg5[%swap3A_519] {strides = array<i32>} : memref<4096xf32, #tpu.memory_space<vmem>>, vector<16xf32>,
    tpu.vector_store %arg5[%swap3A_519], %broadcast_in_dim3A_59 {strides = array<i32>} : memref<4096xf32, #tpu.memory_space<vmem>>, vector<16xf32>,
    %swap3A_521 = arith.constant 3696 : index
    %swap3A_522 = tpu.vector_load %arg5[%swap3A_521] {strides = array<i32>} : memref<4096xf32, #tpu.memory_space<vmem>>, vector<16xf32>,
    tpu.vector_store %arg5[%swap3A_521], %broadcast_in_dim3A_59 {strides = array<i32>} : memref<4096xf32, #tpu.memory_space<vmem>>, vector<16xf32>,
    %swap3A_523 = arith.constant 3712 : index
    %swap3A_524 = tpu.vector_load %arg5[%swap3A_523] {strides = array<i32>} : memref<4096xf32, #tpu.memory_space<vmem>>, vector<16xf32>,
    tpu.vector_store %arg5[%swap3A_523], %broadcast_in_dim3A_59 {strides = array<i32>} : memref<4096xf32, #tpu.memory_space<vmem>>, vector<16xf32>,
    %swap3A_525 = arith.constant 3728 : index
    %swap3A_526 = tpu.vector_load %arg5[%swap3A_525] {strides = array<i32>} : memref<4096xf32, #tpu.memory_space<vmem>>, vector<16xf32>,
    tpu.vector_store %arg5[%swap3A_525], %broadcast_in_dim3A_59 {strides = array<i32>} : memref<4096xf32, #tpu.memory_space<vmem>>, vector<16xf32>,
    %swap3A_527 = arith.constant 3744 : index
    %swap3A_528 = tpu.vector_load %arg5[%swap3A_527] {strides = array<i32>} : memref<4096xf32, #tpu.memory_space<vmem>>, vector<16xf32>,
    tpu.vector_store %arg5[%swap3A_527], %broadcast_in_dim3A_59 {strides = array<i32>} : memref<4096xf32, #tpu.memory_space<vmem>>, vector<16xf32>,
    %swap3A_529 = arith.constant 3760 : index
    %swap3A_530 = tpu.vector_load %arg5[%swap3A_529] {strides = array<i32>} : memref<4096xf32, #tpu.memory_space<vmem>>, vector<16xf32>,
    tpu.vector_store %arg5[%swap3A_529], %broadcast_in_dim3A_59 {strides = array<i32>} : memref<4096xf32, #tpu.memory_space<vmem>>, vector<16xf32>,
    %swap3A_531 = arith.constant 3776 : index
    %swap3A_532 = tpu.vector_load %arg5[%swap3A_531] {strides = array<i32>} : memref<4096xf32, #tpu.memory_space<vmem>>, vector<16xf32>,
    tpu.vector_store %arg5[%swap3A_531], %broadcast_in_dim3A_59 {strides = array<i32>} : memref<4096xf32, #tpu.memory_space<vmem>>, vector<16xf32>,
    %swap3A_533 = arith.constant 3792 : index
    %swap3A_534 = tpu.vector_load %arg5[%swap3A_533] {strides = array<i32>} : memref<4096xf32, #tpu.memory_space<vmem>>, vector<16xf32>,
    tpu.vector_store %arg5[%swap3A_533], %broadcast_in_dim3A_59 {strides = array<i32>} : memref<4096xf32, #tpu.memory_space<vmem>>, vector<16xf32>,
    %swap3A_535 = arith.constant 3808 : index
    %swap3A_536 = tpu.vector_load %arg5[%swap3A_535] {strides = array<i32>} : memref<4096xf32, #tpu.memory_space<vmem>>, vector<16xf32>,
    tpu.vector_store %arg5[%swap3A_535], %broadcast_in_dim3A_59 {strides = array<i32>} : memref<4096xf32, #tpu.memory_space<vmem>>, vector<16xf32>,
    %swap3A_537 = arith.constant 3824 : index
    %swap3A_538 = tpu.vector_load %arg5[%swap3A_537] {strides = array<i32>} : memref<4096xf32, #tpu.memory_space<vmem>>, vector<16xf32>,
    tpu.vector_store %arg5[%swap3A_537], %broadcast_in_dim3A_59 {strides = array<i32>} : memref<4096xf32, #tpu.memory_space<vmem>>, vector<16xf32>,
    %swap3A_539 = arith.constant 3840 : index
    %swap3A_540 = tpu.vector_load %arg5[%swap3A_539] {strides = array<i32>} : memref<4096xf32, #tpu.memory_space<vmem>>, vector<16xf32>,
    tpu.vector_store %arg5[%swap3A_539], %broadcast_in_dim3A_59 {strides = array<i32>} : memref<4096xf32, #tpu.memory_space<vmem>>, vector<16xf32>,
    %swap3A_541 = arith.constant 3856 : index
    %swap3A_542 = tpu.vector_load %arg5[%swap3A_541] {strides = array<i32>} : memref<4096xf32, #tpu.memory_space<vmem>>, vector<16xf32>,
    tpu.vector_store %arg5[%swap3A_541], %broadcast_in_dim3A_59 {strides = array<i32>} : memref<4096xf32, #tpu.memory_space<vmem>>, vector<16xf32>,
    %swap3A_543 = arith.constant 3872 : index
    %swap3A_544 = tpu.vector_load %arg5[%swap3A_543] {strides = array<i32>} : memref<4096xf32, #tpu.memory_space<vmem>>, vector<16xf32>,
    tpu.vector_store %arg5[%swap3A_543], %broadcast_in_dim3A_59 {strides = array<i32>} : memref<4096xf32, #tpu.memory_space<vmem>>, vector<16xf32>,
    %swap3A_545 = arith.constant 3888 : index
    %swap3A_546 = tpu.vector_load %arg5[%swap3A_545] {strides = array<i32>} : memref<4096xf32, #tpu.memory_space<vmem>>, vector<16xf32>,
    tpu.vector_store %arg5[%swap3A_545], %broadcast_in_dim3A_59 {strides = array<i32>} : memref<4096xf32, #tpu.memory_space<vmem>>, vector<16xf32>,
    %swap3A_547 = arith.constant 3904 : index
    %swap3A_548 = tpu.vector_load %arg5[%swap3A_547] {strides = array<i32>} : memref<4096xf32, #tpu.memory_space<vmem>>, vector<16xf32>,
    tpu.vector_store %arg5[%swap3A_547], %broadcast_in_dim3A_59 {strides = array<i32>} : memref<4096xf32, #tpu.memory_space<vmem>>, vector<16xf32>,
    %swap3A_549 = arith.constant 3920 : index
    %swap3A_550 = tpu.vector_load %arg5[%swap3A_549] {strides = array<i32>} : memref<4096xf32, #tpu.memory_space<vmem>>, vector<16xf32>,
    tpu.vector_store %arg5[%swap3A_549], %broadcast_in_dim3A_59 {strides = array<i32>} : memref<4096xf32, #tpu.memory_space<vmem>>, vector<16xf32>,
    %swap3A_551 = arith.constant 3936 : index
    %swap3A_552 = tpu.vector_load %arg5[%swap3A_551] {strides = array<i32>} : memref<4096xf32, #tpu.memory_space<vmem>>, vector<16xf32>,
    tpu.vector_store %arg5[%swap3A_551], %broadcast_in_dim3A_59 {strides = array<i32>} : memref<4096xf32, #tpu.memory_space<vmem>>, vector<16xf32>,
    %swap3A_553 = arith.constant 3952 : index
    %swap3A_554 = tpu.vector_load %arg5[%swap3A_553] {strides = array<i32>} : memref<4096xf32, #tpu.memory_space<vmem>>, vector<16xf32>,
    tpu.vector_store %arg5[%swap3A_553], %broadcast_in_dim3A_59 {strides = array<i32>} : memref<4096xf32, #tpu.memory_space<vmem>>, vector<16xf32>,
    %swap3A_555 = arith.constant 3968 : index
    %swap3A_556 = tpu.vector_load %arg5[%swap3A_555] {strides = array<i32>} : memref<4096xf32, #tpu.memory_space<vmem>>, vector<16xf32>,
    tpu.vector_store %arg5[%swap3A_555], %broadcast_in_dim3A_59 {strides = array<i32>} : memref<4096xf32, #tpu.memory_space<vmem>>, vector<16xf32>,
    %swap3A_557 = arith.constant 3984 : index
    %swap3A_558 = tpu.vector_load %arg5[%swap3A_557] {strides = array<i32>} : memref<4096xf32, #tpu.memory_space<vmem>>, vector<16xf32>,
    tpu.vector_store %arg5[%swap3A_557], %broadcast_in_dim3A_59 {strides = array<i32>} : memref<4096xf32, #tpu.memory_space<vmem>>, vector<16xf32>,
    %swap3A_559 = arith.constant 4000 : index
    %swap3A_560 = tpu.vector_load %arg5[%swap3A_559] {strides = array<i32>} : memref<4096xf32, #tpu.memory_space<vmem>>, vector<16xf32>,
    tpu.vector_store %arg5[%swap3A_559], %broadcast_in_dim3A_59 {strides = array<i32>} : memref<4096xf32, #tpu.memory_space<vmem>>, vector<16xf32>,
    %swap3A_561 = arith.constant 4016 : index
    %swap3A_562 = tpu.vector_load %arg5[%swap3A_561] {strides = array<i32>} : memref<4096xf32, #tpu.memory_space<vmem>>, vector<16xf32>,
    tpu.vector_store %arg5[%swap3A_561], %broadcast_in_dim3A_59 {strides = array<i32>} : memref<4096xf32, #tpu.memory_space<vmem>>, vector<16xf32>,
    %swap3A_563 = arith.constant 4032 : index
    %swap3A_564 = tpu.vector_load %arg5[%swap3A_563] {strides = array<i32>} : memref<4096xf32, #tpu.memory_space<vmem>>, vector<16xf32>,
    tpu.vector_store %arg5[%swap3A_563], %broadcast_in_dim3A_59 {strides = array<i32>} : memref<4096xf32, #tpu.memory_space<vmem>>, vector<16xf32>,
    %swap3A_565 = arith.constant 4048 : index
    %swap3A_566 = tpu.vector_load %arg5[%swap3A_565] {strides = array<i32>} : memref<4096xf32, #tpu.memory_space<vmem>>, vector<16xf32>,
    tpu.vector_store %arg5[%swap3A_565], %broadcast_in_dim3A_59 {strides = array<i32>} : memref<4096xf32, #tpu.memory_space<vmem>>, vector<16xf32>,
    %swap3A_567 = arith.constant 4064 : index
    %swap3A_568 = tpu.vector_load %arg5[%swap3A_567] {strides = array<i32>} : memref<4096xf32, #tpu.memory_space<vmem>>, vector<16xf32>,
    tpu.vector_store %arg5[%swap3A_567], %broadcast_in_dim3A_59 {strides = array<i32>} : memref<4096xf32, #tpu.memory_space<vmem>>, vector<16xf32>,
    %swap3A_569 = arith.constant 4080 : index
    %swap3A_570 = tpu.vector_load %arg5[%swap3A_569] {strides = array<i32>} : memref<4096xf32, #tpu.memory_space<vmem>>, vector<16xf32>,
    tpu.vector_store %arg5[%swap3A_569], %broadcast_in_dim3A_59 {strides = array<i32>} : memref<4096xf32, #tpu.memory_space<vmem>>, vector<16xf32>,
    %broadcast_in_dim3A_571 = arith.constant 0 : i32
    %broadcast_in_dim3A_572 = vector.broadcast %broadcast_in_dim3A_571 : i32 to vector<16xi32>
    %scan3A = arith.constant 0 : i32
    %scan3A_573 = arith.constant 0 : i32
    %scan3A_574 = arith.constant 2048 : i32
    %scan3A_575 = arith.addi %scan3A_573, %scan3A_574 : i32
    %scan3A_576 = arith.constant 1 : i32
    %scan3A_577:2 = scf.for %scan3A_582 = %scan3A_573 to %scan3A_575 step %scan3A_576 iter_args(%scan3A_583 = %scan3A, %scan3A_584 = %broadcast_in_dim3A_572) -> (i32, vector<16xi32>)  : i32 {
      %broadcast_in_dim3A_585 = vector.broadcast %scan3A_583 : i32 to vector<16xi32>
      %rem3A_586 = arith.constant 16 : i32
      %rem3A_587 = arith.remsi %scan3A_582, %rem3A_586 : i32
      %eq3A_588 = vector.broadcast %rem3A_587 : i32 to vector<16xi32>
      %eq3A_589 = arith.cmpi eq, %iota3A, %eq3A_588 : vector<16xi32>
      %select_n3A_590 = arith.select %eq3A_589, %broadcast_in_dim3A_585, %scan3A_584 : vector<16xi1>, vector<16xi32>
      %rem3A_591 = arith.constant 16 : i32
      %rem3A_592 = arith.remsi %scan3A_582, %rem3A_591 : i32
      %eq3A_593 = arith.constant 15 : i32
      %eq3A_594 = arith.cmpi eq, %rem3A_592, %eq3A_593 : i32
      %convert_element_type3A_595 = arith.extui %eq3A_594 : i1 to i32
      %cond3A_596 = arith.constant 0 : i32
      %cond3A_597 = arith.cmpi ne, %convert_element_type3A_595, %cond3A_596 : i32
      scf.if %cond3A_597 {
        %sub3A_725 = arith.constant 15 : i32
        %sub3A_726 = arith.subi %scan3A_582, %sub3A_725 : i32
        %multiple_of3A_727 = tpu.assume_multiple %sub3A_726, 16 : i32
        %swap3A_728 = arith.index_cast %multiple_of3A_727 : i32 to index
        %swap3A_729 = tpu.vector_load %arg8[%swap3A_728] {strides = array<i32>} : memref<2048xi32, #tpu.memory_space<vmem>>, vector<16xi32>,
        tpu.vector_store %arg8[%swap3A_728], %select_n3A_590 {strides = array<i32>} : memref<2048xi32, #tpu.memory_space<vmem>>, vector<16xi32>,
      } else {
      }
      %and3A_598 = arith.constant -16 : i32
      %and3A_599 = arith.andi %scan3A_583, %and3A_598 : i32
      %multiple_of3A = tpu.assume_multiple %and3A_599, 16 : i32
      %sub3A_600 = arith.subi %scan3A_583, %multiple_of3A : i32
      %broadcast_in_dim3A_601 = vector.broadcast %sub3A_600 : i32 to vector<16xi32>
      %get3A = arith.constant 0 : i32
      %get3A_602 = arith.index_cast %get3A : i32 to index
      %get3A_603 = arith.index_cast %multiple_of3A : i32 to index
      %get3A_604 = tpu.vector_load %arg4[%get3A_602, %get3A_603] {strides = array<i32>} : memref<3x16384xf32, #tpu.memory_space<vmem>>, vector<16xf32>,
      %lt3A_605 = arith.constant 0 : i32
      %lt3A_606 = vector.broadcast %lt3A_605 : i32 to vector<16xi32>
      %lt3A_607 = arith.cmpi slt, %broadcast_in_dim3A_601, %lt3A_606 : vector<16xi32>
      %add3A_608 = arith.constant 16 : i32
      %add3A_609 = vector.broadcast %add3A_608 : i32 to vector<16xi32>
      %add3A_610 = arith.addi %broadcast_in_dim3A_601, %add3A_609 : vector<16xi32>
      %select_n3A_611 = arith.select %lt3A_607, %add3A_610, %broadcast_in_dim3A_601 : vector<16xi1>, vector<16xi32>
      %broadcast_in_dim3A_612 = vector.shape_cast %select_n3A_611 : vector<16xi32> to vector<16x1xi32>
      %gather3A = vector.shape_cast %broadcast_in_dim3A_612 : vector<16x1xi32> to vector<16xi32>
      %gather3A_613 = tpu.dynamic_gather %get3A_604[%gather3A] in [0] : vector<16xf32>, vector<16xi32> -> vector<16xf32>
      %get3A_614 = arith.constant 1 : i32
      %get3A_615 = arith.index_cast %get3A_614 : i32 to index
      %get3A_616 = arith.index_cast %multiple_of3A : i32 to index
      %get3A_617 = tpu.vector_load %arg4[%get3A_615, %get3A_616] {strides = array<i32>} : memref<3x16384xf32, #tpu.memory_space<vmem>>, vector<16xf32>,
      %lt3A_618 = arith.constant 0 : i32
      %lt3A_619 = vector.broadcast %lt3A_618 : i32 to vector<16xi32>
      %lt3A_620 = arith.cmpi slt, %broadcast_in_dim3A_601, %lt3A_619 : vector<16xi32>
      %add3A_621 = arith.constant 16 : i32
      %add3A_622 = vector.broadcast %add3A_621 : i32 to vector<16xi32>
      %add3A_623 = arith.addi %broadcast_in_dim3A_601, %add3A_622 : vector<16xi32>
      %select_n3A_624 = arith.select %lt3A_620, %add3A_623, %broadcast_in_dim3A_601 : vector<16xi1>, vector<16xi32>
      %broadcast_in_dim3A_625 = vector.shape_cast %select_n3A_624 : vector<16xi32> to vector<16x1xi32>
      %gather3A_626 = vector.shape_cast %broadcast_in_dim3A_625 : vector<16x1xi32> to vector<16xi32>
      %gather3A_627 = tpu.dynamic_gather %get3A_617[%gather3A_626] in [0] : vector<16xf32>, vector<16xi32> -> vector<16xf32>
      %get3A_628 = arith.constant 2 : i32
      %get3A_629 = arith.index_cast %get3A_628 : i32 to index
      %get3A_630 = arith.index_cast %multiple_of3A : i32 to index
      %get3A_631 = tpu.vector_load %arg4[%get3A_629, %get3A_630] {strides = array<i32>} : memref<3x16384xf32, #tpu.memory_space<vmem>>, vector<16xf32>,
      %lt3A_632 = arith.constant 0 : i32
      %lt3A_633 = vector.broadcast %lt3A_632 : i32 to vector<16xi32>
      %lt3A_634 = arith.cmpi slt, %broadcast_in_dim3A_601, %lt3A_633 : vector<16xi32>
      %add3A_635 = arith.constant 16 : i32
      %add3A_636 = vector.broadcast %add3A_635 : i32 to vector<16xi32>
      %add3A_637 = arith.addi %broadcast_in_dim3A_601, %add3A_636 : vector<16xi32>
      %select_n3A_638 = arith.select %lt3A_634, %add3A_637, %broadcast_in_dim3A_601 : vector<16xi1>, vector<16xi32>
      %broadcast_in_dim3A_639 = vector.shape_cast %select_n3A_638 : vector<16xi32> to vector<16x1xi32>
      %gather3A_640 = vector.shape_cast %broadcast_in_dim3A_639 : vector<16x1xi32> to vector<16xi32>
      %gather3A_641 = tpu.dynamic_gather %get3A_631[%gather3A_640] in [0] : vector<16xf32>, vector<16xi32> -> vector<16xf32>
      %broadcast_in_dim3A_642 = arith.constant -1.000000e+00 : f32
      %broadcast_in_dim3A_643 = vector.broadcast %broadcast_in_dim3A_642 : f32 to vector<16xf32>
      %broadcast_in_dim3A_644 = arith.constant 0 : i32
      %broadcast_in_dim3A_645 = vector.broadcast %broadcast_in_dim3A_644 : i32 to vector<16xi32>
      %parallel_loop3A = arith.constant 0 : i32
      %parallel_loop3A_646 = arith.constant 256 : i32
      %parallel_loop3A_647 = arith.constant 1 : i32
      %parallel_loop3A_648:2 = scf.for %parallel_loop3A_725 = %parallel_loop3A to %parallel_loop3A_646 step %parallel_loop3A_647 iter_args(%parallel_loop3A_726 = %broadcast_in_dim3A_643, %parallel_loop3A_727 = %broadcast_in_dim3A_645) -> (vector<16xf32>, vector<16xi32>)  : i32 {
        %parallel_loop3A_728 = arith.constant 16 : i32
        %parallel_loop3A_729 = arith.muli %parallel_loop3A_725, %parallel_loop3A_728 : i32
        %parallel_loop3A_730 = arith.addi %mul3A_32, %parallel_loop3A_729 : i32
        %parallel_loop3A_731 = tpu.assume_multiple %parallel_loop3A_730, 16 : i32
        %parallel_loop3A_732 = arith.constant 0 : i32
        %parallel_loop3A_733 = arith.index_cast %parallel_loop3A_732 : i32 to index
        %parallel_loop3A_734 = arith.index_cast %parallel_loop3A_731 : i32 to index
        %parallel_loop3A_735 = tpu.vector_load %arg4[%parallel_loop3A_733, %parallel_loop3A_734] {strides = array<i32>} : memref<3x16384xf32, #tpu.memory_space<vmem>>, vector<16xf32>,
        %parallel_loop3A_736 = arith.subf %parallel_loop3A_735, %gather3A_613 : vector<16xf32>
        %parallel_loop3A_737 = arith.mulf %parallel_loop3A_736, %parallel_loop3A_736 : vector<16xf32>
        %parallel_loop3A_738 = arith.constant 1 : i32
        %parallel_loop3A_739 = arith.index_cast %parallel_loop3A_738 : i32 to index
        %parallel_loop3A_740 = arith.index_cast %parallel_loop3A_731 : i32 to index
        %parallel_loop3A_741 = tpu.vector_load %arg4[%parallel_loop3A_739, %parallel_loop3A_740] {strides = array<i32>} : memref<3x16384xf32, #tpu.memory_space<vmem>>, vector<16xf32>,
        %parallel_loop3A_742 = arith.subf %parallel_loop3A_741, %gather3A_627 : vector<16xf32>
        %parallel_loop3A_743 = arith.mulf %parallel_loop3A_742, %parallel_loop3A_742 : vector<16xf32>
        %parallel_loop3A_744 = arith.addf %parallel_loop3A_737, %parallel_loop3A_743 : vector<16xf32>
        %parallel_loop3A_745 = arith.constant 2 : i32
        %parallel_loop3A_746 = arith.index_cast %parallel_loop3A_745 : i32 to index
        %parallel_loop3A_747 = arith.index_cast %parallel_loop3A_731 : i32 to index
        %parallel_loop3A_748 = tpu.vector_load %arg4[%parallel_loop3A_746, %parallel_loop3A_747] {strides = array<i32>} : memref<3x16384xf32, #tpu.memory_space<vmem>>, vector<16xf32>,
        %parallel_loop3A_749 = arith.subf %parallel_loop3A_748, %gather3A_641 : vector<16xf32>
        %parallel_loop3A_750 = arith.mulf %parallel_loop3A_749, %parallel_loop3A_749 : vector<16xf32>
        %parallel_loop3A_751 = arith.addf %parallel_loop3A_744, %parallel_loop3A_750 : vector<16xf32>
        %parallel_loop3A_752 = arith.constant 16 : i32
        %parallel_loop3A_753 = arith.muli %parallel_loop3A_725, %parallel_loop3A_752 : i32
        %parallel_loop3A_754 = tpu.assume_multiple %parallel_loop3A_753, 16 : i32
        %parallel_loop3A_755 = arith.index_cast %parallel_loop3A_754 : i32 to index
        %parallel_loop3A_756 = tpu.vector_load %arg5[%parallel_loop3A_755] {strides = array<i32>} : memref<4096xf32, #tpu.memory_space<vmem>>, vector<16xf32>,
        %parallel_loop3A_757 = arith.minimumf %parallel_loop3A_756, %parallel_loop3A_751 : vector<16xf32>
        %parallel_loop3A_758 = arith.index_cast %parallel_loop3A_754 : i32 to index
        %parallel_loop3A_759 = tpu.vector_load %arg5[%parallel_loop3A_758] {strides = array<i32>} : memref<4096xf32, #tpu.memory_space<vmem>>, vector<16xf32>,
        tpu.vector_store %arg5[%parallel_loop3A_758], %parallel_loop3A_757 {strides = array<i32>} : memref<4096xf32, #tpu.memory_space<vmem>>, vector<16xf32>,
        %parallel_loop3A_760 = arith.cmpf ogt, %parallel_loop3A_757, %parallel_loop3A_726 : vector<16xf32>
        %parallel_loop3A_761 = vector.broadcast %parallel_loop3A_731 : i32 to vector<16xi32>
        %parallel_loop3A_762 = arith.addi %parallel_loop3A_761, %iota3A : vector<16xi32>
        %parallel_loop3A_763 = arith.select %parallel_loop3A_760, %parallel_loop3A_757, %parallel_loop3A_726 : vector<16xi1>, vector<16xf32>
        %parallel_loop3A_764 = arith.select %parallel_loop3A_760, %parallel_loop3A_762, %parallel_loop3A_727 : vector<16xi1>, vector<16xi32>
        scf.yield %parallel_loop3A_763, %parallel_loop3A_764 : vector<16xf32>, vector<16xi32>
      } {sc.loop_unroll_factor = 8 : i64, sc.parallel_access}
      %swap3A_649 = arith.constant 0 : index
      %swap3A_650 = tpu.vector_load %arg6[%swap3A_649] {strides = array<i32>} : memref<32xi32, #tpu.memory_space<vmem>>, vector<16xi32>,
      tpu.vector_store %arg6[%swap3A_649], %parallel_loop3A_648#1 {strides = array<i32>} : memref<32xi32, #tpu.memory_space<vmem>>, vector<16xi32>,
      %bitcast3A = vector.bitcast %parallel_loop3A_648#0 : vector<16xf32> to vector<16xi32>
      %swap3A_651 = arith.constant 16 : index
      %swap3A_652 = tpu.vector_load %arg6[%swap3A_651] {strides = array<i32>} : memref<32xi32, #tpu.memory_space<vmem>>, vector<16xi32>,
      tpu.vector_store %arg6[%swap3A_651], %bitcast3A {strides = array<i32>} : memref<32xi32, #tpu.memory_space<vmem>>, vector<16xi32>,
      %rem3A_653 = arith.constant 2 : i32
      %rem3A_654 = arith.remsi %scan3A_582, %rem3A_653 : i32
      %mul3A_655 = arith.constant 16 : i32
      %mul3A_656 = arith.muli %rem3A_654, %mul3A_655 : i32
      %add3A_657 = arith.addi %mul3A_656, %arg1 : i32
      %mul3A_658 = arith.constant 2 : i32
      %mul3A_659 = arith.muli %add3A_657, %mul3A_658 : i32
      %mul3A_660 = arith.constant 16 : i32
      %mul3A_661 = arith.muli %mul3A_659, %mul3A_660 : i32
      %multiple_of3A_662 = tpu.assume_multiple %mul3A_661, 32 : i32
      "tpu.region"() ({
        %run_scoped3A = tpu.sem_alloc : memref<!tpu.dma_semaphore, #tpu.memory_space<semaphore_mem>>
        %dma_start3A = tpu.memref_slice %arg9[%multiple_of3A_662] : memref<1024xi32, #tpu.memory_space<vmem_shared>> -> memref<32xi32, #tpu.memory_space<vmem_shared>>
        %dma_start3A_725 = tpu.memref_slice %arg9[%multiple_of3A_662] : memref<1024xi32, #tpu.memory_space<vmem_shared>> -> memref<32xi32, #tpu.memory_space<vmem_shared>>
        tpu.enqueue_dma source(%arg6 : memref<32xi32, #tpu.memory_space<vmem>>) target(%dma_start3A_725 : memref<32xi32, #tpu.memory_space<vmem_shared>>) target_semaphore(%run_scoped3A : memref<!tpu.dma_semaphore, #tpu.memory_space<semaphore_mem>>)
        %dma_wait3A = tpu.memref_slice %arg9[%multiple_of3A_662] : memref<1024xi32, #tpu.memory_space<vmem_shared>> -> memref<32xi32, #tpu.memory_space<vmem_shared>>
        %dma_wait3A_726 = tpu.memref_slice %arg9[%multiple_of3A_662] : memref<1024xi32, #tpu.memory_space<vmem_shared>> -> memref<32xi32, #tpu.memory_space<vmem_shared>>
        tpu.wait_dma2 semaphore(%run_scoped3A : memref<!tpu.dma_semaphore, #tpu.memory_space<semaphore_mem>>) src(%arg6 : memref<32xi32, #tpu.memory_space<vmem>>) dst(%dma_wait3A_726 : memref<32xi32, #tpu.memory_space<vmem_shared>>)
        tpu.yield
      }) : () -> ()
      %barrier3A = arith.constant 0 : index
      tpu.barrier barrier_id(%barrier3A)
      %mul3A_663 = arith.constant 16 : i32
      %mul3A_664 = arith.muli %rem3A_654, %mul3A_663 : i32
      %add3A_665 = arith.addi %mul3A_664, %mul3A_58 : i32
      %mul3A_666 = arith.constant 2 : i32
      %mul3A_667 = arith.muli %add3A_665, %mul3A_666 : i32
      %mul3A_668 = arith.constant 16 : i32
      %mul3A_669 = arith.muli %mul3A_667, %mul3A_668 : i32
      %multiple_of3A_670 = tpu.assume_multiple %mul3A_669, 32 : i32
      "tpu.region"() ({
        %run_scoped3A = tpu.sem_alloc : memref<!tpu.dma_semaphore, #tpu.memory_space<semaphore_mem>>
        %dma_start3A = tpu.memref_slice %arg9[%multiple_of3A_670] : memref<1024xi32, #tpu.memory_space<vmem_shared>> -> memref<128xi32, #tpu.memory_space<vmem_shared>>
        %dma_start3A_725 = tpu.memref_slice %arg9[%multiple_of3A_670] : memref<1024xi32, #tpu.memory_space<vmem_shared>> -> memref<128xi32, #tpu.memory_space<vmem_shared>>
        tpu.enqueue_dma source(%dma_start3A_725 : memref<128xi32, #tpu.memory_space<vmem_shared>>) target(%arg7 : memref<128xi32, #tpu.memory_space<vmem>>) target_semaphore(%run_scoped3A : memref<!tpu.dma_semaphore, #tpu.memory_space<semaphore_mem>>)
        %dma_wait3A = tpu.memref_slice %arg9[%multiple_of3A_670] : memref<1024xi32, #tpu.memory_space<vmem_shared>> -> memref<128xi32, #tpu.memory_space<vmem_shared>>
        %dma_wait3A_726 = tpu.memref_slice %arg9[%multiple_of3A_670] : memref<1024xi32, #tpu.memory_space<vmem_shared>> -> memref<128xi32, #tpu.memory_space<vmem_shared>>
        tpu.wait_dma2 semaphore(%run_scoped3A : memref<!tpu.dma_semaphore, #tpu.memory_space<semaphore_mem>>) src(%dma_wait3A_726 : memref<128xi32, #tpu.memory_space<vmem_shared>>) dst(%arg7 : memref<128xi32, #tpu.memory_space<vmem>>)
        tpu.yield
      }) : () -> ()
      %get3A_671 = arith.constant 16 : index
      %get3A_672 = tpu.vector_load %arg7[%get3A_671] {strides = array<i32>} : memref<128xi32, #tpu.memory_space<vmem>>, vector<16xi32>,
      %get3A_673 = arith.constant 0 : index
      %get3A_674 = tpu.vector_load %arg7[%get3A_673] {strides = array<i32>} : memref<128xi32, #tpu.memory_space<vmem>>, vector<16xi32>,
      %get3A_675 = arith.constant 48 : index
      %get3A_676 = tpu.vector_load %arg7[%get3A_675] {strides = array<i32>} : memref<128xi32, #tpu.memory_space<vmem>>, vector<16xi32>,
      %get3A_677 = arith.constant 32 : index
      %get3A_678 = tpu.vector_load %arg7[%get3A_677] {strides = array<i32>} : memref<128xi32, #tpu.memory_space<vmem>>, vector<16xi32>,
      %gt3A = arith.cmpi sgt, %get3A_676, %get3A_672 : vector<16xi32>
      %eq3A_679 = arith.cmpi eq, %get3A_676, %get3A_672 : vector<16xi32>
      %lt3A_680 = arith.cmpi slt, %get3A_678, %get3A_674 : vector<16xi32>
      %and3A_681 = arith.andi %eq3A_679, %lt3A_680 : vector<16xi1>
      %or3A = arith.ori %gt3A, %and3A_681 : vector<16xi1>
      %select_n3A_682 = arith.select %or3A, %get3A_676, %get3A_672 : vector<16xi1>, vector<16xi32>
      %select_n3A_683 = arith.select %or3A, %get3A_678, %get3A_674 : vector<16xi1>, vector<16xi32>
      %get3A_684 = arith.constant 80 : index
      %get3A_685 = tpu.vector_load %arg7[%get3A_684] {strides = array<i32>} : memref<128xi32, #tpu.memory_space<vmem>>, vector<16xi32>,
      %get3A_686 = arith.constant 64 : index
      %get3A_687 = tpu.vector_load %arg7[%get3A_686] {strides = array<i32>} : memref<128xi32, #tpu.memory_space<vmem>>, vector<16xi32>,
      %gt3A_688 = arith.cmpi sgt, %get3A_685, %select_n3A_682 : vector<16xi32>
      %eq3A_689 = arith.cmpi eq, %get3A_685, %select_n3A_682 : vector<16xi32>
      %lt3A_690 = arith.cmpi slt, %get3A_687, %select_n3A_683 : vector<16xi32>
      %and3A_691 = arith.andi %eq3A_689, %lt3A_690 : vector<16xi1>
      %or3A_692 = arith.ori %gt3A_688, %and3A_691 : vector<16xi1>
      %select_n3A_693 = arith.select %or3A_692, %get3A_685, %select_n3A_682 : vector<16xi1>, vector<16xi32>
      %select_n3A_694 = arith.select %or3A_692, %get3A_687, %select_n3A_683 : vector<16xi1>, vector<16xi32>
      %get3A_695 = arith.constant 112 : index
      %get3A_696 = tpu.vector_load %arg7[%get3A_695] {strides = array<i32>} : memref<128xi32, #tpu.memory_space<vmem>>, vector<16xi32>,
      %get3A_697 = arith.constant 96 : index
      %get3A_698 = tpu.vector_load %arg7[%get3A_697] {strides = array<i32>} : memref<128xi32, #tpu.memory_space<vmem>>, vector<16xi32>,
      %gt3A_699 = arith.cmpi sgt, %get3A_696, %select_n3A_693 : vector<16xi32>
      %eq3A_700 = arith.cmpi eq, %get3A_696, %select_n3A_693 : vector<16xi32>
      %lt3A_701 = arith.cmpi slt, %get3A_698, %select_n3A_694 : vector<16xi32>
      %and3A_702 = arith.andi %eq3A_700, %lt3A_701 : vector<16xi1>
      %or3A_703 = arith.ori %gt3A_699, %and3A_702 : vector<16xi1>
      %select_n3A_704 = arith.select %or3A_703, %get3A_696, %select_n3A_693 : vector<16xi1>, vector<16xi32>
      %select_n3A_705 = arith.select %or3A_703, %get3A_698, %select_n3A_694 : vector<16xi1>, vector<16xi32>
      %reduce_max3A = arith.constant true
      %reduce_max3A_706 = vector.broadcast %reduce_max3A : i1 to vector<16xi1>
      %reduce_max3A_707 = arith.constant -2147483648 : i32
      %reduce_max3A_708 = vector.broadcast %reduce_max3A_707 : i32 to vector<16xi32>
      %reduce_max3A_709 = arith.xori %select_n3A_704, %reduce_max3A_708 : vector<16xi32>
      %reduce_max3A_710 = tpu.scan <max>, %reduce_max3A_709 masked %reduce_max3A_706 : vector<16xi32>, vector<16xi1> -> vector<16xi32>
      %reduce_max3A_711 = arith.xori %reduce_max3A_710, %reduce_max3A_708 : vector<16xi32>
      %reduce_max3A_712 = vector.extract %reduce_max3A_711[15] : i32 from vector<16xi32>
      %eq3A_713 = vector.broadcast %reduce_max3A_712 : i32 to vector<16xi32>
      %eq3A_714 = arith.cmpi eq, %select_n3A_704, %eq3A_713 : vector<16xi32>
      %broadcast_in_dim3A_715 = arith.constant 1073741824 : i32
      %broadcast_in_dim3A_716 = vector.broadcast %broadcast_in_dim3A_715 : i32 to vector<16xi32>
      %select_n3A_717 = arith.select %eq3A_714, %select_n3A_705, %broadcast_in_dim3A_716 : vector<16xi1>, vector<16xi32>
      %reduce_min3A = arith.constant true
      %reduce_min3A_718 = vector.broadcast %reduce_min3A : i1 to vector<16xi1>
      %reduce_min3A_719 = arith.constant -2147483648 : i32
      %reduce_min3A_720 = vector.broadcast %reduce_min3A_719 : i32 to vector<16xi32>
      %reduce_min3A_721 = arith.xori %select_n3A_717, %reduce_min3A_720 : vector<16xi32>
      %reduce_min3A_722 = tpu.scan <min>, %reduce_min3A_721 masked %reduce_min3A_718 : vector<16xi32>, vector<16xi1> -> vector<16xi32>
      %reduce_min3A_723 = arith.xori %reduce_min3A_722, %reduce_min3A_720 : vector<16xi32>
      %reduce_min3A_724 = vector.extract %reduce_min3A_723[15] : i32 from vector<16xi32>
      scf.yield %reduce_min3A_724, %select_n3A_590 : i32, vector<16xi32>
    }
    %scan3A_578 = arith.constant 2048 : i32
    %eq3A_579 = arith.constant 0 : i32
    %eq3A_580 = arith.cmpi eq, %select_n3A_30, %eq3A_579 : i32
    %convert_element_type3A = arith.extui %eq3A_580 : i1 to i32
    %cond3A = arith.constant 0 : i32
    %cond3A_581 = arith.cmpi ne, %convert_element_type3A, %cond3A : i32
    scf.if %cond3A_581 {
      "tpu.region"() ({
        %run_scoped3A = tpu.sem_alloc : memref<!tpu.dma_semaphore, #tpu.memory_space<semaphore_mem>>
        %dma_start3A = arith.constant 0 : i32
        %dma_start3A_582 = tpu.memref_slice %arg3[%add3A, %dma_start3A] : memref<8x2048xi32, #tpu.memory_space<hbm>> -> memref<1x2048xi32, #tpu.memory_space<hbm>>
        %dma_start3A_583 = tpu.memref_squeeze %dma_start3A_582 : memref<1x2048xi32, #tpu.memory_space<hbm>> -> memref<2048xi32, #tpu.memory_space<hbm>>
        %dma_start3A_584 = arith.constant 0 : i32
        %dma_start3A_585 = tpu.memref_slice %arg3[%add3A, %dma_start3A_584] : memref<8x2048xi32, #tpu.memory_space<hbm>> -> memref<1x2048xi32, #tpu.memory_space<hbm>>
        %dma_start3A_586 = tpu.memref_squeeze %dma_start3A_585 : memref<1x2048xi32, #tpu.memory_space<hbm>> -> memref<2048xi32, #tpu.memory_space<hbm>>
        tpu.enqueue_dma source(%arg8 : memref<2048xi32, #tpu.memory_space<vmem>>) target(%dma_start3A_586 : memref<2048xi32, #tpu.memory_space<hbm>>) target_semaphore(%run_scoped3A : memref<!tpu.dma_semaphore, #tpu.memory_space<semaphore_mem>>)
        %dma_wait3A = arith.constant 0 : i32
        %dma_wait3A_587 = tpu.memref_slice %arg3[%add3A, %dma_wait3A] : memref<8x2048xi32, #tpu.memory_space<hbm>> -> memref<1x2048xi32, #tpu.memory_space<hbm>>
        %dma_wait3A_588 = tpu.memref_squeeze %dma_wait3A_587 : memref<1x2048xi32, #tpu.memory_space<hbm>> -> memref<2048xi32, #tpu.memory_space<hbm>>
        %dma_wait3A_589 = arith.constant 0 : i32
        %dma_wait3A_590 = tpu.memref_slice %arg3[%add3A, %dma_wait3A_589] : memref<8x2048xi32, #tpu.memory_space<hbm>> -> memref<1x2048xi32, #tpu.memory_space<hbm>>
        %dma_wait3A_591 = tpu.memref_squeeze %dma_wait3A_590 : memref<1x2048xi32, #tpu.memory_space<hbm>> -> memref<2048xi32, #tpu.memory_space<hbm>>
        tpu.wait_dma2 semaphore(%run_scoped3A : memref<!tpu.dma_semaphore, #tpu.memory_space<semaphore_mem>>) src(%arg8 : memref<2048xi32, #tpu.memory_space<vmem>>) dst(%dma_wait3A_591 : memref<2048xi32, #tpu.memory_space<hbm>>)
        tpu.yield
      }) : () -> ()
    } else {
    }
    return
  }
}

</mosaic_0001>

<sc_bundles>
// kernel: kernel.3.cloned.1.call-start
scs
__scs_entry_jumppad:
0x0: {  	(pc) =	sbr.rel $0x88, $3  }
0x1: {  	(tag) =	ssettag $0x0;
	lr =	simm.s32 $0x1  }
0x2: {  	[smem:$0x3F9F] =	sst lr;
	_ =	strace $0xD0000000  }
0x3: {  	_ = 	snop  }
0x4: {  	_ = 	snop  }
0x5: {  	_ = 	snop  }
0x6: {  	_ = 	snop  }
0x7: {  	_ = 	snop  }
__scs_overlays_trampoline_lowered:
0x8: {  	[smem:$0x3FAE] =	sst s0  }
0x9: {  	[smem:$0x3FAF] =	sst s1  }
0xa: {  	[smem:$0x3FB0] =	sst s2  }
0xb: {  	[smem:$0x3FB1] =	sst s3  }
0xc: {  	[smem:$0x3FB2] =	sst s4  }
0xd: {  	[smem:$0x3FB3] =	sst s5  }
0xe: {  	[smem:$0x3FB4] =	sst s6  }
0xf: {  	[smem:$0x3FB5] =	sst s7  }
0x10: {  	[smem:$0x3FB6] =	sst s8  }
0x11: {  	[smem:$0x3FB7] =	sst s9;
	s0 =	simm.s32 @!p0 $0x0  }
0x12: {  	s1 =	sld [smem:$0x3F9D];
	s0 =	simm.s32 @p0 $0x1  }
0x13: {  	[smem:$0x3FB8] =	sst s0;
	s0 =	simm.s32 @!p1 $0x0  }
0x14: {  	s2 =	sld [smem:$0x3F9C];
	s0 =	simm.s32 @p1 $0x1  }
0x15: {  	[smem:$0x3FB9] =	sst s0;
	s0 =	simm.s32 @!p2 $0x0  }
0x16: {  	s3 =	sld [smem:$0x3FDB];
	s0 =	simm.s32 @p2 $0x1  }
0x17: {  	s4 =	simm.s32 $0x1BF5;
	[smem:$0x3FBB] =	sst s0  }
0x18: {  	s0 =	sld [smem:$0x3F9E];
	_ =	swait.ge [sflag:s4], $0x0  }
0x19: {  	s7 =	sld [smem:$0x3F9F]  }
0x1a: {  	s8 =	sadd.s32 $0xFFFFE003, lr  }
0x1b: {  	s9 =	sadd.s32 $0xFFFFFEF7, lr;
	s5 =	simm.s32 $0xFFFFFFFF;
	p2 =	slt.u32 s8, $0xFFFFF086  }
0x1c: {  	p1 =	slt.u32 s9, $0xF7A;
	s5 =	simm.s32 @!p2 $0x0  }
0x1d: {  	s5 =	simm.s32 @p1 $0x1;
	p0 =	seq.s32 s7, s2  }
0x1e: {  	s7 =	smul.u32 @!p0 $0xF7A, s2;
	p2 =	seq.s32 @!p0 s5, $0x0  }
0x1f: {  	s9 =	smul.u32 $0xF7A, s1;
	s8 =	simm.s32 @!p0 $0x1BF5;
	p2 =	por !p2, p0  }
0x20: {  	[sflag:s8] =	ssyncset.s32 @!p0 $0xFFFFF086;
	s6 =	sadd.s32 @!p0 s3, s7;
	s7 =	simm.s32 @!p0 $0x108  }
0x21: {  	s3 =	sadd.s32 s3, s9;
	s6 =	sadd.s32 @!p0 $0x88, s6;
	s7 =	simm.s32 @p2 $0x1082  }
0x22: {  	[simem:s7], [sflag:s8] =	dma.local @!p0 [hbm:s6], $0xF7A  }
0x23: {  	s9 =	sor.u32 $0xD0000000, s2;
	s6 =	simm.s32 $0x108;
	_ =	swait.ge @!p0 [sflag:s8], $0x0  }
0x24: {  	s3 =	sadd.s32 $0x88, s3;
	s6 =	simm.s32 @!p1 $0x1082;
	[sflag:s4] =	ssyncset.s32 $0xFFFFF086  }
0x25: {  	[simem:s6], [sflag:s4] =	dma.local [hbm:s3], $0xF7A  }
0x26: {  	[smem:$0x3F9F] =	sst s1;
	(tag) =	ssettag s2;
	_ =	strace s9  }
0x27: {  	s1 =	sld [smem:$0x3FAF]  }
0x28: {  	s2 =	sld [smem:$0x3FB0]  }
0x29: {  	s4 =	sld [smem:$0x3FB2]  }
0x2a: {  	p0 =	seq.s32 s5, $0x0;
	s5 =	sld [smem:$0x3FB3]  }
0x2b: {  	s6 =	sld [smem:$0x3FB4]  }
0x2c: {  	s7 =	sld [smem:$0x3FB5]  }
0x2d: {  	s3 =	simm.s32 $0x108;
	s8 =	sld [smem:$0x3FB6]  }
0x2e: {  	s3 =	simm.s32 @!p0 $0x1082;
	s9 =	sld [smem:$0x3FB7]  }
0x2f: {  	lr =	sadd.s32 s0, s3;
	s0 =	sld [smem:$0x3FAE]  }
0x30: {  	s3 =	sld [smem:$0x3FB1]  }
0x31: {  	[smem:$0x3FBA] =	sst s10  }
0x32: {  	s10 =	sld [smem:$0x3FB8];
	_ =	sdelay $0x3  }
0x33: {  	p0 =	seq.s32 s10, $0x1;
	s10 =	sld [smem:$0x3FBA];
	_ =	sdelay $0x3  }
0x34: {  	[smem:$0x3FBA] =	sst s10  }
0x35: {  	s10 =	sld [smem:$0x3FB9];
	_ =	sdelay $0x3  }
0x36: {  	p1 =	seq.s32 s10, $0x1;
	s10 =	sld [smem:$0x3FBA];
	_ =	sdelay $0x3  }
0x37: {  	[smem:$0x3FBA] =	sst s10  }
0x38: {  	s10 =	sld [smem:$0x3FBB]  }
0x39: {  	_ = 	snop;
	(pc) =	sbr.ind lr, $3  }
0x3a: {  	_ = 	snop  }
0x3b: {  	_ = 	snop  }
0x3c: {  	p2 =	seq.s32 s10, $0x1;
	s10 =	sld [smem:$0x3FBA]  }
0x3d: {  	_ =	shalt  }
0x3e: {  	_ =	shalt  }
0x3f: {  	_ =	shalt  }
0x40: {  	_ =	shalt  }
0x41: {  	_ =	shalt  }
0x42: {  	_ =	shalt  }
0x43: {  	_ =	shalt  }
0x44: {  	_ =	shalt  }
0x45: {  	_ =	shalt  }
0x46: {  	_ =	shalt  }
0x47: {  	_ =	shalt  }
0x48: {  	_ =	shalt  }
0x49: {  	_ =	shalt  }
0x4a: {  	_ =	shalt  }
0x4b: {  	_ =	shalt  }
0x4c: {  	_ =	shalt  }
0x4d: {  	_ =	shalt  }
0x4e: {  	_ =	shalt  }
0x4f: {  	_ =	shalt  }
0x50: {  	_ =	shalt  }
0x51: {  	_ =	shalt  }
0x52: {  	_ =	shalt  }
0x53: {  	_ =	shalt  }
0x54: {  	_ =	shalt  }
0x55: {  	_ =	shalt  }
0x56: {  	_ =	shalt  }
0x57: {  	_ =	shalt  }
0x58: {  	_ =	shalt  }
0x59: {  	_ =	shalt  }
0x5a: {  	_ =	shalt  }
0x5b: {  	_ =	shalt  }
0x5c: {  	_ =	shalt  }
0x5d: {  	_ =	shalt  }
0x5e: {  	_ =	shalt  }
0x5f: {  	_ =	shalt  }
0x60: {  	_ =	shalt  }
0x61: {  	_ =	shalt  }
0x62: {  	_ =	shalt  }
0x63: {  	_ =	shalt  }
0x64: {  	_ =	shalt  }
0x65: {  	_ =	shalt  }
0x66: {  	_ =	shalt  }
0x67: {  	_ =	shalt  }
0x68: {  	_ =	shalt  }
0x69: {  	_ =	shalt  }
0x6a: {  	_ =	shalt  }
0x6b: {  	_ =	shalt  }
0x6c: {  	_ =	shalt  }
0x6d: {  	_ =	shalt  }
0x6e: {  	_ =	shalt  }
0x6f: {  	_ =	shalt  }
0x70: {  	_ =	shalt  }
0x71: {  	_ =	shalt  }
0x72: {  	_ =	shalt  }
0x73: {  	_ =	shalt  }
0x74: {  	_ =	shalt  }
0x75: {  	_ =	shalt  }
0x76: {  	_ =	shalt  }
0x77: {  	_ =	shalt  }
0x78: {  	_ =	shalt  }
0x79: {  	_ =	shalt  }
0x7a: {  	_ =	shalt  }
0x7b: {  	_ =	shalt  }
0x7c: {  	_ =	shalt  }
0x7d: {  	_ =	shalt  }
0x7e: {  	_ =	shalt  }
0x7f: {  	_ =	shalt  }
0x80: {  	_ =	shalt  }
0x81: {  	_ =	shalt  }
0x82: {  	_ =	shalt  }
0x83: {  	_ =	shalt  }
0x84: {  	_ =	shalt  }
0x85: {  	_ =	shalt  }
0x86: {  	_ =	shalt  }
0x87: {  	_ =	shalt  }
.Lfunc_end0:
.L_simem_size_0:
called_computation_lowered:
.L_overlay_start_0:
0x88: {  	s2 =	sld [smem:$0x3FD9]  }
0x89: {  	s3 =	sld [smem:$0x3FFE];
	_ =	sdelay $0x1  }
0x8a: {  	s1 =	srdreg.scid  }
0x8b: {  	s0 =	sand.u32 $0x1, s1  }
0x8c: {  	s17 =	sshll.u32 s0, $0xA;
	s2 =	sadd.s32 s3, s2  }
0x8d: {  	s2 =	sadd.s32 s2, s17  }
0x8e: {  	[smem:$0x3FC6] =	sst s2  }
0x8f: {  	_ = 	snop  }
0x90: {  	s2 =	sld [smem:$0x3FD0];
	(tm) =	ssettm $0x1  }
0x91: {  	s18 =	sld [smem:$0x3FFB];
	_ =	sdelay $0x3  }
0x92: {  	_ =	strace s18  }
0x93: {  	s3 =	sld [smem:$0x3FFC];
	_ =	sdelay $0x3  }
0x94: {  	_ =	strace s3  }
0x95: {  	s3 =	sld [smem:$0x3FFD];
	_ =	sdelay $0x3  }
0x96: {  	_ =	strace s3  }
0x97: {  	_ =	strace $0x8FFFFFFF  }
0x98: {  	s19 =	sld [smem:$0x3FDB];
	_ =	sdelay $0x1  }
0x99: {  	s4 =	simm.s32 $_scs_section_size  }
0x9a: {  	s5 =	simm.s32 $_size__tile_overlayer_lowered;
	s6 =	simm.s32 $_tile_overlayer_lowered  }
0x9b: {  	s22 =	simm.s32 $0x1BFF;
	s21 =	sshll.u32 s6, $0x1;
	s3 =	sadd.s32 s4, s19  }
0x9c: {  	s7 =	simm.s32 $0x0;
	s20 =	sshll.u32 s5, $0x1;
	s5 =	sadd.s32 s21, s3  }
0x9d: {  	[timem:s7], [sflag:s22] =	dma.local [hbm:s5], s20  }
0x9e: {  	_ =	swait.ge [sflag:s22], s20  }
0x9f: {  	s4 =	ssub.s32 $0x0, s20;
	[sflag:s22] =	ssyncset.done $0x0  }
0xa0: {  	[sflag:s22] =	ssyncadd.s32 s4;
	_ =	sdelay $0x1  }
0xa1: {  	s23 =	simm.s32 $0x1B8B  }
0xa2: {  	_ =	swait.ge [sflag:s23], $0x1  }
0xa3: {  	[sflag:s23] =	ssyncset.done $0x0  }
0xa4: {  	s25 =	simm.s32 $0x1B8E;
	s24 =	sld [smem:$0x3FFE];
	[sflag:s23] =	ssyncadd.s32 $0xFFFFFFFF  }
0xa5: {  	s26 =	simm.s32 $execute0_lowered;
	[smem:$0x3FD2] =	sst s25  }
0xa6: {  	s5 =	sshll.u32 s26, $0x1;
	_ =	strace $0x80000046;
	[dreg:$0x1] =	wrdreg $0xFFFFFFFF  }
0xa7: {  	s28 =	simm.s32 $_size_execute0_lowered;
	s3 =	sadd.s32 s3, s5;
	[dreg:$0x0] =	wrdreg $0x0  }
0xa8: {  	s5 =	sshll.u32 s28, $0x1;
	[dreg:$0x2] =	wrdreg s3  }
0xa9: {  	[dreg:$0x3] =	wrdreg s5  }
0xaa: {  	[dreg:$0x4] =	wrdreg $0xC0  }
0xab: {  	_ =	task [dreg:s7], $0x5FFFF  }
0xac: {  	[dreg:$0x1] =	wrdreg $0xFFFFFFFF  }
0xad: {  	[dreg:$0x0] =	wrdreg $0x60  }
0xae: {  	[dreg:$0x2] =	wrdreg s24  }
0xaf: {  	[dreg:$0x3] =	wrdreg s2  }
0xb0: {  	[dreg:$0x4] =	wrdreg $0x119000  }
0xb1: {  	[dreg:$0x5] =	wrdreg $0x9  }
0xb2: {  	_ =	task.clear_ibuf [dreg:s7], $0x6FFFF;
	_ =	strace $0x90000046  }
0xb3: {  	s29 =	simm.s32 $0x9;
	_ =	strace $0x80000048  }
0xb4: {  	_ =	swait.ge [sflag:s29], $0x1  }
0xb5: {  	[sflag:s29] =	ssyncadd.s32 $0xFFFFFFFF  }
0xb6: {  	_ =	strace $0x90000048  }
0xb7: {  	_ =	sfence  }
0xb8: {  	s30 =	sld [smem:$0x0];
	_ =	sdelay $0x2  }
0xb9: {  	s31 =	sshll.u32 s1, $0xD;
	s1 =	sshrl.u32 s1, $0x2  }
0xba: {  	s3 =	sand.u32 $0x4000, s31;
	s1 =	sadd.s32 s1, s30  }
0xbb: {  	s0 =	sor.u32 s3, s0;
	s1 =	sshll.u32 s1, $0x11  }
0xbc: {  	s0 =	sor.u32 s1, s0  }
0xbd: {  	s0 =	sadd.s32 $0x8F2B, s0  }
0xbe: {  	[sflag:s0] =	ssyncadd.remote.s32 $0x1  }
0xbf: {  	_ =	sfence.sel $0xFFFF  }
0xc0: {  	[dreg:$0x0] =	wrdreg $0xFFFFFFFF;
	(pc) =	sbr.abs _section_cstart, $3  }
0xc1: {  	[dreg:$0x1] =	wrdreg $0xFFFFFFFF  }
0xc2: {  	_ =	task.clear_ibuf [dreg:s7], $0x2FFFF;
	_ =	strace $0x9FFFFFFF  }
0xc3: {  	(tm) =	ssettm $0x7FFFFFFF  }
tec
execute0_lowered:
.L_overlay_start_1:
0x0: {  	(tag) =	ssettag $0x1  }
0x1: {  	s4 =	rddreg [dreg:$0x0]  }
0x2: {  	s5 =	rddreg [dreg:$0x1]  }
0x3: {  	s2 =	rddreg [dreg:$0x2];
	s3 =	srdreg.scid  }
0x4: {  	s0 =	rddreg [dreg:$0x3];
	s1 =	stileid.u32  }
0x5: {  	s11 =	simm.s32 $0x11000;
	s13 =	simm.s32 $0x11080;
	s6 =	sand.u32 $0x1, s3  }
0x6: {  	s3 =	simm.s32 $0x0;
	s8 =	sshrl.u32 s1, $0x2;
	s14 =	sand.u32 $0x3, s1  }
0x7: {  	s10 =	sshll.u32 s1, $0x7;
	s7 =	sshll.u32 s6, $0x2;
	[smem:$0x7FF] =	sst s3  }
0x8: {  	s6 =	ssub.s32 $0x2, s6;
	s30 =	sshll.u32 s14, $0xC;
	s12 =	sshll.u32 s8, $0x9  }
0x9: {  	s31 =	sshll.u32 s14, $0xE;
	s10 =	sshrl.u32 s10, $0x2;
	p0 =	sne.s32 s14, $0x0  }
0xa: {  	s14 =	simm.s32 $0x0;
	s7 =	sor.u32 s8, s7;
	_ =	strace $0x80000047  }
0xb: {  	s29 =	sshrl.u32 s6, $0x1;
	s8 =	sor.u32 $0xC0, s31;
	s12 =	sshrl.u32 s12, $0x2  }
0xc: {  	s9 =	sshll.u32 s7, $0xD;
	s6 =	ssub.s32 s6, s29;
	s7 =	sshll.u32 s7, $0x4  }
0xd: {  	s4 =	sadd.s32 s9, s4;
	s5 =	sadd.s32 s5, s7;
	s6 =	smax.u32 s6, $0x1  }
0xe: {  	v0 =	vimm.f32 $1.000000000e+10;
	v1 =	vlaneseq.u32;
	v2 =	vimm.s32 $0x0;
	s7 =	sor.u32 $0x70, s30;
	s9 =	simm.s32 $0x1;
	s4 =	sadd.s32 $0x400, s4  }
.LBB2_1:
0xf: {  	[tilespmem:s3], [sflag:$0x1] =	stream.linear.gather [hbm4b:s4+s3], $0x10000, $0x38;
	[tilespmem:$0x11940] =	vst v63  }
0x10: {  	_ =	swait.ge [sflag:s9], $0x10000  }
0x11: {  	[sflag:s9] =	ssyncset.done $0x0  }
0x12: {  	[sflag:s9] =	ssyncadd.s32 $0xFFFF0000  }
0x13: {  	[tilespmem:$0x10000] =	vst v0  }
0x14: {  	[tilespmem:$0x10010] =	vst v0  }
0x15: {  	[tilespmem:$0x10020] =	vst v0  }
0x16: {  	[tilespmem:$0x10030] =	vst v0  }
0x17: {  	[tilespmem:$0x10040] =	vst v0  }
0x18: {  	[tilespmem:$0x10050] =	vst v0  }
0x19: {  	[tilespmem:$0x10060] =	vst v0  }
0x1a: {  	[tilespmem:$0x10070] =	vst v0  }
0x1b: {  	[tilespmem:$0x10080] =	vst v0  }
0x1c: {  	[tilespmem:$0x10090] =	vst v0  }
0x1d: {  	[tilespmem:$0x100A0] =	vst v0  }
0x1e: {  	[tilespmem:$0x100B0] =	vst v0  }
0x1f: {  	[tilespmem:$0x100C0] =	vst v0  }
0x20: {  	[tilespmem:$0x100D0] =	vst v0  }
0x21: {  	[tilespmem:$0x100E0] =	vst v0  }
0x22: {  	[tilespmem:$0x100F0] =	vst v0  }
0x23: {  	[tilespmem:$0x10100] =	vst v0  }
0x24: {  	[tilespmem:$0x10110] =	vst v0  }
0x25: {  	[tilespmem:$0x10120] =	vst v0  }
0x26: {  	[tilespmem:$0x10130] =	vst v0  }
0x27: {  	[tilespmem:$0x10140] =	vst v0  }
0x28: {  	[tilespmem:$0x10150] =	vst v0  }
0x29: {  	[tilespmem:$0x10160] =	vst v0  }
0x2a: {  	[tilespmem:$0x10170] =	vst v0  }
0x2b: {  	[tilespmem:$0x10180] =	vst v0  }
0x2c: {  	[tilespmem:$0x10190] =	vst v0  }
0x2d: {  	[tilespmem:$0x101A0] =	vst v0  }
0x2e: {  	[tilespmem:$0x101B0] =	vst v0  }
0x2f: {  	[tilespmem:$0x101C0] =	vst v0  }
0x30: {  	[tilespmem:$0x101D0] =	vst v0  }
0x31: {  	[tilespmem:$0x101E0] =	vst v0  }
0x32: {  	[tilespmem:$0x101F0] =	vst v0  }
0x33: {  	[tilespmem:$0x10200] =	vst v0  }
0x34: {  	[tilespmem:$0x10210] =	vst v0  }
0x35: {  	[tilespmem:$0x10220] =	vst v0  }
0x36: {  	[tilespmem:$0x10230] =	vst v0  }
0x37: {  	[tilespmem:$0x10240] =	vst v0  }
0x38: {  	[tilespmem:$0x10250] =	vst v0  }
0x39: {  	[tilespmem:$0x10260] =	vst v0  }
0x3a: {  	[tilespmem:$0x10270] =	vst v0  }
0x3b: {  	[tilespmem:$0x10280] =	vst v0  }
0x3c: {  	[tilespmem:$0x10290] =	vst v0  }
0x3d: {  	[tilespmem:$0x102A0] =	vst v0  }
0x3e: {  	[tilespmem:$0x102B0] =	vst v0  }
0x3f: {  	[tilespmem:$0x102C0] =	vst v0  }
0x40: {  	[tilespmem:$0x102D0] =	vst v0  }
0x41: {  	[tilespmem:$0x102E0] =	vst v0  }
0x42: {  	[tilespmem:$0x102F0] =	vst v0  }
0x43: {  	[tilespmem:$0x10300] =	vst v0  }
0x44: {  	[tilespmem:$0x10310] =	vst v0  }
0x45: {  	[tilespmem:$0x10320] =	vst v0  }
0x46: {  	[tilespmem:$0x10330] =	vst v0  }
0x47: {  	[tilespmem:$0x10340] =	vst v0  }
0x48: {  	[tilespmem:$0x10350] =	vst v0  }
0x49: {  	[tilespmem:$0x10360] =	vst v0  }
0x4a: {  	[tilespmem:$0x10370] =	vst v0  }
0x4b: {  	[tilespmem:$0x10380] =	vst v0  }
0x4c: {  	[tilespmem:$0x10390] =	vst v0  }
0x4d: {  	[tilespmem:$0x103A0] =	vst v0  }
0x4e: {  	[tilespmem:$0x103B0] =	vst v0  }
0x4f: {  	[tilespmem:$0x103C0] =	vst v0  }
0x50: {  	[tilespmem:$0x103D0] =	vst v0  }
0x51: {  	[tilespmem:$0x103E0] =	vst v0  }
0x52: {  	[tilespmem:$0x103F0] =	vst v0  }
0x53: {  	[tilespmem:$0x10400] =	vst v0  }
0x54: {  	[tilespmem:$0x10410] =	vst v0  }
0x55: {  	[tilespmem:$0x10420] =	vst v0  }
0x56: {  	[tilespmem:$0x10430] =	vst v0  }
0x57: {  	[tilespmem:$0x10440] =	vst v0  }
0x58: {  	[tilespmem:$0x10450] =	vst v0  }
0x59: {  	[tilespmem:$0x10460] =	vst v0  }
0x5a: {  	[tilespmem:$0x10470] =	vst v0  }
0x5b: {  	[tilespmem:$0x10480] =	vst v0  }
0x5c: {  	[tilespmem:$0x10490] =	vst v0  }
0x5d: {  	[tilespmem:$0x104A0] =	vst v0  }
0x5e: {  	[tilespmem:$0x104B0] =	vst v0  }
0x5f: {  	[tilespmem:$0x104C0] =	vst v0  }
0x60: {  	[tilespmem:$0x104D0] =	vst v0  }
0x61: {  	[tilespmem:$0x104E0] =	vst v0  }
0x62: {  	[tilespmem:$0x104F0] =	vst v0  }
0x63: {  	[tilespmem:$0x10500] =	vst v0  }
0x64: {  	[tilespmem:$0x10510] =	vst v0  }
0x65: {  	[tilespmem:$0x10520] =	vst v0  }
0x66: {  	[tilespmem:$0x10530] =	vst v0  }
0x67: {  	[tilespmem:$0x10540] =	vst v0  }
0x68: {  	[tilespmem:$0x10550] =	vst v0  }
0x69: {  	[tilespmem:$0x10560] =	vst v0  }
0x6a: {  	[tilespmem:$0x10570] =	vst v0  }
0x6b: {  	[tilespmem:$0x10580] =	vst v0  }
0x6c: {  	[tilespmem:$0x10590] =	vst v0  }
0x6d: {  	[tilespmem:$0x105A0] =	vst v0  }
0x6e: {  	[tilespmem:$0x105B0] =	vst v0  }
0x6f: {  	[tilespmem:$0x105C0] =	vst v0  }
0x70: {  	[tilespmem:$0x105D0] =	vst v0  }
0x71: {  	[tilespmem:$0x105E0] =	vst v0  }
0x72: {  	[tilespmem:$0x105F0] =	vst v0  }
0x73: {  	[tilespmem:$0x10600] =	vst v0  }
0x74: {  	[tilespmem:$0x10610] =	vst v0  }
0x75: {  	[tilespmem:$0x10620] =	vst v0  }
0x76: {  	[tilespmem:$0x10630] =	vst v0  }
0x77: {  	[tilespmem:$0x10640] =	vst v0  }
0x78: {  	[tilespmem:$0x10650] =	vst v0  }
0x79: {  	[tilespmem:$0x10660] =	vst v0  }
0x7a: {  	[tilespmem:$0x10670] =	vst v0  }
0x7b: {  	[tilespmem:$0x10680] =	vst v0  }
0x7c: {  	[tilespmem:$0x10690] =	vst v0  }
0x7d: {  	[tilespmem:$0x106A0] =	vst v0  }
0x7e: {  	[tilespmem:$0x106B0] =	vst v0  }
0x7f: {  	[tilespmem:$0x106C0] =	vst v0  }
0x80: {  	[tilespmem:$0x106D0] =	vst v0  }
0x81: {  	[tilespmem:$0x106E0] =	vst v0  }
0x82: {  	[tilespmem:$0x106F0] =	vst v0  }
0x83: {  	[tilespmem:$0x10700] =	vst v0  }
0x84: {  	[tilespmem:$0x10710] =	vst v0  }
0x85: {  	[tilespmem:$0x10720] =	vst v0  }
0x86: {  	[tilespmem:$0x10730] =	vst v0  }
0x87: {  	[tilespmem:$0x10740] =	vst v0  }
0x88: {  	[tilespmem:$0x10750] =	vst v0  }
0x89: {  	[tilespmem:$0x10760] =	vst v0  }
0x8a: {  	[tilespmem:$0x10770] =	vst v0  }
0x8b: {  	[tilespmem:$0x10780] =	vst v0  }
0x8c: {  	[tilespmem:$0x10790] =	vst v0  }
0x8d: {  	[tilespmem:$0x107A0] =	vst v0  }
0x8e: {  	[tilespmem:$0x107B0] =	vst v0  }
0x8f: {  	[tilespmem:$0x107C0] =	vst v0  }
0x90: {  	[tilespmem:$0x107D0] =	vst v0  }
0x91: {  	[tilespmem:$0x107E0] =	vst v0  }
0x92: {  	[tilespmem:$0x107F0] =	vst v0  }
0x93: {  	[tilespmem:$0x10800] =	vst v0  }
0x94: {  	[tilespmem:$0x10810] =	vst v0  }
0x95: {  	[tilespmem:$0x10820] =	vst v0  }
0x96: {  	[tilespmem:$0x10830] =	vst v0  }
0x97: {  	[tilespmem:$0x10840] =	vst v0  }
0x98: {  	[tilespmem:$0x10850] =	vst v0  }
0x99: {  	[tilespmem:$0x10860] =	vst v0  }
0x9a: {  	[tilespmem:$0x10870] =	vst v0  }
0x9b: {  	[tilespmem:$0x10880] =	vst v0  }
0x9c: {  	[tilespmem:$0x10890] =	vst v0  }
0x9d: {  	[tilespmem:$0x108A0] =	vst v0  }
0x9e: {  	[tilespmem:$0x108B0] =	vst v0  }
0x9f: {  	[tilespmem:$0x108C0] =	vst v0  }
0xa0: {  	[tilespmem:$0x108D0] =	vst v0  }
0xa1: {  	[tilespmem:$0x108E0] =	vst v0  }
0xa2: {  	[tilespmem:$0x108F0] =	vst v0  }
0xa3: {  	[tilespmem:$0x10900] =	vst v0  }
0xa4: {  	[tilespmem:$0x10910] =	vst v0  }
0xa5: {  	[tilespmem:$0x10920] =	vst v0  }
0xa6: {  	[tilespmem:$0x10930] =	vst v0  }
0xa7: {  	[tilespmem:$0x10940] =	vst v0  }
0xa8: {  	[tilespmem:$0x10950] =	vst v0  }
0xa9: {  	[tilespmem:$0x10960] =	vst v0  }
0xaa: {  	[tilespmem:$0x10970] =	vst v0  }
0xab: {  	[tilespmem:$0x10980] =	vst v0  }
0xac: {  	[tilespmem:$0x10990] =	vst v0  }
0xad: {  	[tilespmem:$0x109A0] =	vst v0  }
0xae: {  	[tilespmem:$0x109B0] =	vst v0  }
0xaf: {  	[tilespmem:$0x109C0] =	vst v0  }
0xb0: {  	[tilespmem:$0x109D0] =	vst v0  }
0xb1: {  	[tilespmem:$0x109E0] =	vst v0  }
0xb2: {  	[tilespmem:$0x109F0] =	vst v0  }
0xb3: {  	[tilespmem:$0x10A00] =	vst v0  }
0xb4: {  	[tilespmem:$0x10A10] =	vst v0  }
0xb5: {  	[tilespmem:$0x10A20] =	vst v0  }
0xb6: {  	[tilespmem:$0x10A30] =	vst v0  }
0xb7: {  	[tilespmem:$0x10A40] =	vst v0  }
0xb8: {  	[tilespmem:$0x10A50] =	vst v0  }
0xb9: {  	[tilespmem:$0x10A60] =	vst v0  }
0xba: {  	[tilespmem:$0x10A70] =	vst v0  }
0xbb: {  	[tilespmem:$0x10A80] =	vst v0  }
0xbc: {  	[tilespmem:$0x10A90] =	vst v0  }
0xbd: {  	[tilespmem:$0x10AA0] =	vst v0  }
0xbe: {  	[tilespmem:$0x10AB0] =	vst v0  }
0xbf: {  	[tilespmem:$0x10AC0] =	vst v0  }
0xc0: {  	[tilespmem:$0x10AD0] =	vst v0  }
0xc1: {  	[tilespmem:$0x10AE0] =	vst v0  }
0xc2: {  	[tilespmem:$0x10AF0] =	vst v0  }
0xc3: {  	[tilespmem:$0x10B00] =	vst v0  }
0xc4: {  	[tilespmem:$0x10B10] =	vst v0  }
0xc5: {  	[tilespmem:$0x10B20] =	vst v0  }
0xc6: {  	[tilespmem:$0x10B30] =	vst v0  }
0xc7: {  	[tilespmem:$0x10B40] =	vst v0  }
0xc8: {  	[tilespmem:$0x10B50] =	vst v0  }
0xc9: {  	[tilespmem:$0x10B60] =	vst v0  }
0xca: {  	[tilespmem:$0x10B70] =	vst v0  }
0xcb: {  	[tilespmem:$0x10B80] =	vst v0  }
0xcc: {  	[tilespmem:$0x10B90] =	vst v0  }
0xcd: {  	[tilespmem:$0x10BA0] =	vst v0  }
0xce: {  	[tilespmem:$0x10BB0] =	vst v0  }
0xcf: {  	[tilespmem:$0x10BC0] =	vst v0  }
0xd0: {  	[tilespmem:$0x10BD0] =	vst v0  }
0xd1: {  	[tilespmem:$0x10BE0] =	vst v0  }
0xd2: {  	[tilespmem:$0x10BF0] =	vst v0  }
0xd3: {  	[tilespmem:$0x10C00] =	vst v0  }
0xd4: {  	[tilespmem:$0x10C10] =	vst v0  }
0xd5: {  	[tilespmem:$0x10C20] =	vst v0  }
0xd6: {  	[tilespmem:$0x10C30] =	vst v0  }
0xd7: {  	[tilespmem:$0x10C40] =	vst v0  }
0xd8: {  	[tilespmem:$0x10C50] =	vst v0  }
0xd9: {  	[tilespmem:$0x10C60] =	vst v0  }
0xda: {  	[tilespmem:$0x10C70] =	vst v0  }
0xdb: {  	[tilespmem:$0x10C80] =	vst v0  }
0xdc: {  	[tilespmem:$0x10C90] =	vst v0  }
0xdd: {  	[tilespmem:$0x10CA0] =	vst v0  }
0xde: {  	[tilespmem:$0x10CB0] =	vst v0  }
0xdf: {  	[tilespmem:$0x10CC0] =	vst v0  }
0xe0: {  	[tilespmem:$0x10CD0] =	vst v0  }
0xe1: {  	[tilespmem:$0x10CE0] =	vst v0  }
0xe2: {  	[tilespmem:$0x10CF0] =	vst v0  }
0xe3: {  	[tilespmem:$0x10D00] =	vst v0  }
0xe4: {  	[tilespmem:$0x10D10] =	vst v0  }
0xe5: {  	[tilespmem:$0x10D20] =	vst v0  }
0xe6: {  	[tilespmem:$0x10D30] =	vst v0  }
0xe7: {  	[tilespmem:$0x10D40] =	vst v0  }
0xe8: {  	[tilespmem:$0x10D50] =	vst v0  }
0xe9: {  	[tilespmem:$0x10D60] =	vst v0  }
0xea: {  	[tilespmem:$0x10D70] =	vst v0  }
0xeb: {  	[tilespmem:$0x10D80] =	vst v0  }
0xec: {  	[tilespmem:$0x10D90] =	vst v0  }
0xed: {  	[tilespmem:$0x10DA0] =	vst v0  }
0xee: {  	[tilespmem:$0x10DB0] =	vst v0  }
0xef: {  	[tilespmem:$0x10DC0] =	vst v0  }
0xf0: {  	[tilespmem:$0x10DD0] =	vst v0  }
0xf1: {  	[tilespmem:$0x10DE0] =	vst v0  }
0xf2: {  	[tilespmem:$0x10DF0] =	vst v0  }
0xf3: {  	[tilespmem:$0x10E00] =	vst v0  }
0xf4: {  	[tilespmem:$0x10E10] =	vst v0  }
0xf5: {  	[tilespmem:$0x10E20] =	vst v0  }
0xf6: {  	[tilespmem:$0x10E30] =	vst v0  }
0xf7: {  	[tilespmem:$0x10E40] =	vst v0  }
0xf8: {  	[tilespmem:$0x10E50] =	vst v0  }
0xf9: {  	[tilespmem:$0x10E60] =	vst v0  }
0xfa: {  	[tilespmem:$0x10E70] =	vst v0  }
0xfb: {  	[tilespmem:$0x10E80] =	vst v0  }
0xfc: {  	[tilespmem:$0x10E90] =	vst v0  }
0xfd: {  	[tilespmem:$0x10EA0] =	vst v0  }
0xfe: {  	[tilespmem:$0x10EB0] =	vst v0  }
0xff: {  	[tilespmem:$0x10EC0] =	vst v0  }
0x100: {  	[tilespmem:$0x10ED0] =	vst v0  }
0x101: {  	[tilespmem:$0x10EE0] =	vst v0  }
0x102: {  	[tilespmem:$0x10EF0] =	vst v0  }
0x103: {  	[tilespmem:$0x10F00] =	vst v0  }
0x104: {  	[tilespmem:$0x10F10] =	vst v0  }
0x105: {  	[tilespmem:$0x10F20] =	vst v0  }
0x106: {  	[tilespmem:$0x10F30] =	vst v0  }
0x107: {  	[tilespmem:$0x10F40] =	vst v0  }
0x108: {  	[tilespmem:$0x10F50] =	vst v0  }
0x109: {  	[tilespmem:$0x10F60] =	vst v0  }
0x10a: {  	[tilespmem:$0x10F70] =	vst v0  }
0x10b: {  	[tilespmem:$0x10F80] =	vst v0  }
0x10c: {  	[tilespmem:$0x10F90] =	vst v0  }
0x10d: {  	[tilespmem:$0x10FA0] =	vst v0  }
0x10e: {  	[tilespmem:$0x10FB0] =	vst v0  }
0x10f: {  	[tilespmem:$0x10FC0] =	vst v0  }
0x110: {  	[tilespmem:$0x10FD0] =	vst v0  }
0x111: {  	[tilespmem:$0x10FE0] =	vst v0  }
0x112: {  	v3 =	vimm.s32 $0x0;
	s16 =	simm.s32 $0x0;
	s15 =	simm.s32 $0x0;
	[tilespmem:$0x10FF0] =	vst v0  }
.LBB2_2:
0x113: {  	s17 =	sand.u32 $0xF, s15  }
0x114: {  	v4 =	vmov s17  }
0x115: {  	s18 =	sshll.u32 s16, $0x2;
	vm0 =	veq.s32 v4, v1  }
0x116: {  	s24 =	sand.u32 $0x70, s16;
	p1 =	sne.s32 s17, $0xF;
	s18 =	sand.u32 $0xFFFFFE00, s18;
	v3 =	vsel vm0, s16, v3  }
0x117: {  	s17 =	sor.u32 s24, s18;
	[tilespmem:s15+$0x110F1] =	vst @!p1 v3  }
0x118: {  	v5 =	vld [tilespmem:s17+$0x0]  }
0x119: {  	v6 =	vld [tilespmem:s17+$0x80]  }
0x11a: {  	v4 =	vld [tilespmem:s17+$0x100]  }
0x11b: {  	v7 =	vld [tilespmem:s8+$0xB0]  }
0x11c: {  	v8 =	vld [tilespmem:s8+$0xA0]  }
0x11d: {  	v9 =	vld [tilespmem:s8+$0xFFFFFFB0]  }
0x11e: {  	v10 =	vld [tilespmem:s8+$0x30]  }
0x11f: {  	v11 =	vld [tilespmem:s8+$0x90]  }
0x120: {  	v12 =	vld [tilespmem:s8+$0xFFFFFFA0]  }
0x121: {  	v13 =	vld [tilespmem:s8+$0x20]  }
0x122: {  	v14 =	vld [tilespmem:s8+$0x80]  }
0x123: {  	v15 =	vld [tilespmem:s8+$0xFFFFFF90]  }
0x124: {  	s25 =	sand.u32 $0xF, s16;
	v17 =	vld [tilespmem:s8+$0x10]  }
0x125: {  	v16 =	vmov s25;
	v18 =	vld [tilespmem:s8+$0x70]  }
0x126: {  	v19 =	vld [tilespmem:s8+$0xFFFFFF80];
	v4 =	vperm.xlane v4, v16  }
0x127: {  	v27 =	vimm.f32 $-1.000000000e+00;
	v22 =	vld [tilespmem:s8+$0x60];
	v5 =	vperm.xlane v5, v16  }
0x128: {  	s31 =	sadd.s32 $0xFFFFFF90, s7;
	v30 =	vld [tilespmem:s8+$0x40];
	v6 =	vperm.xlane v6, v16;
	v20 =	vsub.f32 v8, v4;
	v21 =	vsub.f32 v7, v4  }
0x129: {  	s26 =	sadd.s32 $0xFFFFFFD0, s7;
	v35 =	vor.u32 s31, v1;
	v34 =	vld [tilespmem:s8+$0xFFFFFFC0];
	v23 =	vsub.f32 v9, v5;
	v24 =	vsub.f32 v11, v4  }
0x12a: {  	s28 =	sadd.s32 $0xFFFFFFC0, s7;
	v16 =	vld [tilespmem:s8+$0x0];
	v25 =	vsub.f32 v10, v6;
	v7 =	vor.u32 s26, v1;
	v26 =	vsub.f32 v12, v5  }
0x12b: {  	s29 =	sadd.s32 $0xFFFFFFB0, s7;
	v9 =	vld [tilespmem:s8+$0xFFFFFF70];
	v28 =	vsub.f32 v13, v6;
	v8 =	vor.u32 s28, v1;
	v14 =	vsub.f32 v14, v4  }
0x12c: {  	s30 =	sadd.s32 $0xFFFFFFA0, s7;
	v11 =	vld [tilespmem:s8+$0x50];
	v29 =	vsub.f32 v15, v5;
	v10 =	vor.u32 s29, v1;
	v31 =	vsub.f32 v18, v4  }
0x12d: {  	v32 =	vsub.f32 v17, v6;
	v18 =	vld [tilespmem:s8+$0xFFFFFF40];
	v15 =	vor.u32 s30, v1;
	v36 =	vsub.f32 v22, v4  }
0x12e: {  	v38 =	vld [tilespmem:s8+$0xFFFFFF50];
	v19 =	vsub.f32 v19, v5;
	v13 =	vmul.f32 v25, v25;
	v17 =	vmul.f32 v26, v26  }
0x12f: {  	v12 =	vld [tilespmem:s8+$0xFFFFFF60];
	v25 =	vsub.f32 v30, v4;
	v22 =	vmul.f32 v32, v32;
	v59 =	vmul.f32 v36, v36  }
0x130: {  	v40 =	vld [tilespmem:s8+$0xFFFFFFD0];
	v33 =	vsub.f32 v16, v6;
	v16 =	vmul.f32 v24, v24;
	v24 =	vmul.f32 v19, v19  }
0x131: {  	v30 =	vld [tilespmem:s8+$0xFFFFFFE0];
	v25 =	vmul.f32 v25, v25;
	v37 =	vsub.f32 v9, v5;
	v39 =	vsub.f32 v11, v4  }
0x132: {  	v11 =	vmul.f32 v20, v20;
	v9 =	vmul.f32 v21, v21;
	v26 =	vsub.f32 v18, v5  }
0x133: {  	v20 =	vmul.f32 v14, v14;
	v18 =	vmul.f32 v28, v28;
	v14 =	vsub.f32 v34, v6;
	v28 =	vld [tilespmem:s8+$0xFFFFFFF0]  }
0x134: {  	v41 =	vsub.f32 v12, v5;
	v21 =	vmul.f32 v29, v29;
	v29 =	vsub.f32 v38, v5  }
0x135: {  	s16 =	simm.s32 $0x10040;
	v19 =	vmul.f32 v26, v26;
	v14 =	vmul.f32 v14, v14;
	v26 =	vsub.f32 v40, v6  }
0x136: {  	v12 =	vmul.f32 v23, v23;
	v23 =	vmul.f32 v31, v31;
	v31 =	vld [tilespmem:s16+$0xFFFFFFC0];
	v30 =	vsub.f32 v30, v6  }
0x137: {  	v60 =	vld [tilespmem:s16+$0xFFFFFFD0];
	v29 =	vmul.f32 v29, v29;
	v19 =	vadd.f32 v14, v19;
	v26 =	vmul.f32 v26, v26  }
0x138: {  	v61 =	vmul.f32 v41, v41;
	v14 =	vld [tilespmem:s16+$0x30];
	v30 =	vmul.f32 v30, v30;
	v28 =	vsub.f32 v28, v6  }
0x139: {  	v62 =	vmul.f32 v39, v39;
	v25 =	vadd.f32 v25, v19;
	v29 =	vadd.f32 v26, v29;
	v19 =	vld [tilespmem:s16+$0x20]  }
0x13a: {  	v37 =	vmul.f32 v37, v37;
	v34 =	vadd.f32 v30, v61;
	v26 =	vld [tilespmem:s16+$0xFFFFFFE0];
	v28 =	vmul.f32 v28, v28  }
0x13b: {  	v30 =	vmul.f32 v33, v33;
	v63 =	vmin.f32 v31, v25;
	v29 =	vadd.f32 v62, v29;
	v25 =	vld [tilespmem:s16+$0x10]  }
0x13c: {  	v31 =	vadd.f32 v59, v34;
	vm15 =	vgt.f32 v63, v27;
	v32 =	vadd.f32 v28, v37;
	v28 =	vld [tilespmem:s16+$0xFFFFFFF0]  }
0x13d: {  	s19 =	sadd.s32 $0x200, s8;
	s18 =	simm.s32 $0x0;
	s17 =	smov.u32 s7;
	[tilespmem:s16+$0xFFFFFFC0] =	vst v63;
	v34 =	vsel vm15, v63, v27;
	v33 =	vsel vm15, v35, v2;
	v29 =	vmin.f32 v60, v29;
	v27 =	vld [tilespmem:s16+$0x0]  }
.LBB2_3:
0x13e: {  	v35 =	vld [tilespmem:s19+$0xB0];
	[tilespmem:s16+$0xFFFFFFD0] =	vst v29;
	vm0 =	vgt.f32 v29, v34;
	v23 =	vadd.f32 v23, v32;
	v24 =	vadd.f32 v30, v24  }
0x13f: {  	v30 =	vld [tilespmem:s19+$0xA0];
	v29 =	vsel vm0, v29, v34;
	v15 =	vsel vm0, v15, v33;
	v26 =	vmin.f32 v26, v31  }
0x140: {  	v21 =	vadd.f32 v22, v21;
	v31 =	vld [tilespmem:s19+$0xFFFFFFB0];
	[tilespmem:s16+$0xFFFFFFE0] =	vst v26;
	vm0 =	vgt.f32 v26, v29;
	v20 =	vadd.f32 v20, v24  }
0x141: {  	v22 =	vld [tilespmem:s19+$0x30];
	v24 =	vsel vm0, v26, v29;
	v10 =	vsel vm0, v10, v15;
	v15 =	vmin.f32 v28, v23  }
0x142: {  	v17 =	vadd.f32 v18, v17;
	v16 =	vadd.f32 v16, v21;
	v23 =	vld [tilespmem:s19+$0x90];
	[tilespmem:s16+$0xFFFFFFF0] =	vst v15;
	vm0 =	vgt.f32 v15, v24  }
0x143: {  	v18 =	vld [tilespmem:s19+$0xFFFFFFA0];
	v15 =	vsel vm0, v15, v24;
	v8 =	vsel vm0, v8, v10;
	v10 =	vmin.f32 v27, v20  }
0x144: {  	v12 =	vadd.f32 v13, v12;
	v11 =	vadd.f32 v11, v17;
	v20 =	vld [tilespmem:s19+$0x20];
	[tilespmem:s16+$0x0] =	vst v10;
	vm0 =	vgt.f32 v10, v15  }
0x145: {  	s20 =	sadd.s32 $0xFFFFFFE0, s17;
	v13 =	vld [tilespmem:s19+$0x80];
	v10 =	vsel vm0, v10, v15;
	v7 =	vsel vm0, v7, v8;
	v8 =	vmin.f32 v25, v16  }
0x146: {  	v9 =	vadd.f32 v9, v12;
	v16 =	vor.u32 s20, v1;
	v15 =	vld [tilespmem:s19+$0xFFFFFF90];
	[tilespmem:s16+$0x10] =	vst v8;
	vm0 =	vgt.f32 v8, v10  }
0x147: {  	s20 =	sadd.s32 $0xFFFFFFF0, s17;
	v12 =	vld [tilespmem:s19+$0x10];
	v8 =	vsel vm0, v8, v10;
	v7 =	vsel vm0, v16, v7;
	v10 =	vmin.f32 v19, v11  }
0x148: {  	v17 =	vor.u32 s17, v1;
	v16 =	vor.u32 s20, v1;
	v11 =	vld [tilespmem:s19+$0x70];
	[tilespmem:s16+$0x20] =	vst v10;
	vm0 =	vgt.f32 v10, v8  }
0x149: {  	v9 =	vmin.f32 v14, v9;
	v19 =	vld [tilespmem:s19+$0xFFFFFF80];
	v8 =	vsel vm0, v10, v8;
	v7 =	vsel vm0, v16, v7  }
0x14a: {  	v21 =	vsub.f32 v35, v4;
	v16 =	vsub.f32 v30, v4;
	v14 =	vld [tilespmem:s19+$0x0];
	[tilespmem:s16+$0x30] =	vst v9;
	vm0 =	vgt.f32 v9, v8  }
0x14b: {  	v25 =	vsub.f32 v31, v5;
	s17 =	sadd.s32 $0x80, s17;
	v24 =	vld [tilespmem:s19+$0x60];
	v27 =	vsel vm0, v9, v8;
	v29 =	vsel vm0, v17, v7  }
0x14c: {  	v22 =	vsub.f32 v22, v6;
	s20 =	sadd.s32 $0xFFFFFFD0, s17;
	v17 =	vsub.f32 v23, v4;
	v9 =	vld [tilespmem:s19+$0xFFFFFF70]  }
0x14d: {  	s21 =	sadd.s32 $0xFFFFFFC0, s17;
	v18 =	vsub.f32 v18, v5;
	v26 =	vsub.f32 v20, v6;
	v7 =	vor.u32 s20, v1;
	v23 =	vld [tilespmem:s19+$0x50]  }
0x14e: {  	v28 =	vsub.f32 v13, v4;
	s20 =	sadd.s32 $0xFFFFFFB0, s17;
	v8 =	vor.u32 s21, v1;
	v30 =	vsub.f32 v15, v5;
	v20 =	vld [tilespmem:s19+$0xFFFFFF60]  }
0x14f: {  	s21 =	sadd.s32 $0xFFFFFFA0, s17;
	v10 =	vor.u32 s20, v1;
	v33 =	vsub.f32 v12, v6;
	v32 =	vsub.f32 v11, v4;
	v31 =	vld [tilespmem:s19+$0x40]  }
0x150: {  	s20 =	sadd.s32 $0xFFFFFF90, s17;
	v15 =	vor.u32 s21, v1;
	v19 =	vsub.f32 v19, v5;
	v35 =	vsub.f32 v14, v6;
	v34 =	vld [tilespmem:s19+$0xFFFFFF40]  }
0x151: {  	s18 =	sadd.s32 $0x8, s18;
	v36 =	vor.u32 s20, v1;
	v37 =	vsub.f32 v24, v4;
	v14 =	vld [tilespmem:s19+$0xFFFFFFC0];
	v38 =	vsub.f32 v9, v5  }
0x152: {  	p1 =	slt.u32 s18, $0xF8;
	v11 =	vmul.f32 v16, v16;
	v9 =	vmul.f32 v21, v21;
	v24 =	vld [tilespmem:s19+$0xFFFFFF50];
	v39 =	vsub.f32 v23, v4  }
0x153: {  	v13 =	vmul.f32 v22, v22;
	v12 =	vmul.f32 v25, v25;
	v40 =	vld [tilespmem:s19+$0xFFFFFFD0];
	v41 =	vsub.f32 v20, v5  }
0x154: {  	v16 =	vmul.f32 v17, v17;
	v17 =	vmul.f32 v18, v18;
	v25 =	vsub.f32 v31, v4;
	v31 =	vld [tilespmem:s19+$0xFFFFFFE0]  }
0x155: {  	v18 =	vmul.f32 v26, v26;
	v20 =	vmul.f32 v28, v28;
	v34 =	vsub.f32 v34, v5  }
0x156: {  	v22 =	vmul.f32 v33, v33;
	v21 =	vmul.f32 v30, v30;
	v14 =	vsub.f32 v14, v6;
	v26 =	vld [tilespmem:s19+$0xFFFFFFF0]  }
0x157: {  	v23 =	vmul.f32 v32, v32;
	v28 =	vsub.f32 v24, v5;
	v24 =	vmul.f32 v19, v19  }
0x158: {  	s16 =	sadd.s32 $0x80, s16;
	v19 =	vmul.f32 v34, v34;
	v14 =	vmul.f32 v14, v14;
	v30 =	vsub.f32 v40, v6  }
0x159: {  	v33 =	vmul.f32 v37, v37;
	v25 =	vmul.f32 v25, v25;
	v32 =	vld [tilespmem:s16+$0xFFFFFFC0];
	v31 =	vsub.f32 v31, v6  }
0x15a: {  	v28 =	vmul.f32 v28, v28;
	v19 =	vadd.f32 v14, v19;
	v30 =	vmul.f32 v30, v30;
	v14 =	vld [tilespmem:s16+$0x30]  }
0x15b: {  	v34 =	vmul.f32 v41, v41;
	v37 =	vld [tilespmem:s16+$0xFFFFFFD0];
	v31 =	vmul.f32 v31, v31;
	v40 =	vsub.f32 v26, v6  }
.Ltmp0:
0x15c: {  	v25 =	vadd.f32 v25, v19;
	v28 =	vadd.f32 v30, v28;
	v30 =	vmul.f32 v39, v39;
	v19 =	vld [tilespmem:s16+$0x20];
	(pc) =	sbr.rel @p1 .LBB2_3-.Ltmp0, $4  }
0x15d: {  	v31 =	vadd.f32 v31, v34;
	v26 =	vld [tilespmem:s16+$0xFFFFFFE0];
	v34 =	vmul.f32 v38, v38;
	v38 =	vmul.f32 v40, v40  }
0x15e: {  	v39 =	vmin.f32 v32, v25;
	v40 =	vadd.f32 v30, v28;
	v30 =	vmul.f32 v35, v35;
	v25 =	vld [tilespmem:s16+$0x10]  }
0x15f: {  	[tilespmem:s16+$0xFFFFFFC0] =	vst v39;
	vm0 =	vgt.f32 v39, v27;
	v31 =	vadd.f32 v33, v31;
	v32 =	vadd.f32 v38, v34;
	v28 =	vld [tilespmem:s16+$0xFFFFFFF0]  }
0x160: {  	s19 =	sadd.s32 $0x200, s19;
	v34 =	vsel vm0, v39, v27;
	v33 =	vsel vm0, v36, v29;
	v29 =	vmin.f32 v37, v40;
	v27 =	vld [tilespmem:s16+$0x0]  }
0x161: {  	vm0 =	vgt.f32 v29, v34;
	v4 =	vadd.f32 v30, v24  }
0x162: {  	v5 =	vadd.f32 v23, v32;
	v6 =	vsel vm0, v29, v34;
	v47 =	vmin.f32 v26, v31  }
0x163: {  	v48 =	vadd.f32 v22, v21;
	vm14 =	vgt.f32 v47, v6  }
0x164: {  	v4 =	vadd.f32 v20, v4;
	v6 =	vsel vm14, v47, v6;
	v5 =	vmin.f32 v28, v5  }
0x165: {  	v49 =	vadd.f32 v18, v17;
	v51 =	vadd.f32 v13, v12;
	vm15 =	vgt.f32 v5, v6  }
0x166: {  	v16 =	vadd.f32 v16, v48;
	v4 =	vmin.f32 v27, v4;
	v6 =	vsel vm15, v5, v6  }
0x167: {  	s18 =	sadd.s32 $0xFFFFFFE0, s17;
	v15 =	vsel vm0, v15, v33;
	v50 =	vadd.f32 v11, v49;
	vm4 =	vgt.f32 v4, v6  }
0x168: {  	[tilespmem:s16+$0xFFFFFFD0] =	vst v29;
	v53 =	vor.u32 s18, v1;
	v52 =	vmin.f32 v25, v16;
	v6 =	vsel vm4, v4, v6  }
0x169: {  	[tilespmem:s16+$0xFFFFFFE0] =	vst v47;
	v10 =	vsel vm14, v10, v15;
	v54 =	vmin.f32 v19, v50;
	vm5 =	vgt.f32 v52, v6  }
0x16a: {  	s25 =	sadd.s32 $0xFFFFFFF0, s17;
	[tilespmem:s16+$0xFFFFFFF0] =	vst v5;
	v8 =	vsel vm15, v8, v10;
	v5 =	vadd.f32 v9, v51;
	v6 =	vsel vm5, v52, v6  }
0x16b: {  	v55 =	vor.u32 s25, v1;
	[tilespmem:s16+$0x0] =	vst v4;
	v7 =	vsel vm4, v7, v8;
	vm6 =	vgt.f32 v54, v6  }
0x16c: {  	[tilespmem:s16+$0x10] =	vst v52;
	v5 =	vmin.f32 v14, v5;
	v4 =	vsel vm5, v53, v7;
	v6 =	vsel vm6, v54, v6  }
0x16d: {  	v56 =	vor.u32 s17, v1;
	s26 =	sshll.u32 s15, $0x9;
	[tilespmem:s16+$0x20] =	vst v54;
	v4 =	vsel vm6, v55, v4;
	vm7 =	vgt.f32 v5, v6  }
0x16e: {  	s28 =	sand.u32 $0x200, s26;
	[tilespmem:s16+$0x30] =	vst v5;
	v4 =	vsel vm7, v56, v4  }
0x16f: {  	s16 =	sadd.s32 s28, s2;
	v5 =	vsel vm7, v5, v6;
	[tilespmem:$0x11000] =	vst v4  }
0x170: {  	s29 =	sadd.s32 s10, s16;
	[tilespmem:$0x11010] =	vst v5  }
0x171: {  	[spmem:s29] =	stream.linear.scatter [tilespmem:s11], [sflag:$0x1], $0x20, $0x38;
	[tilespmem:$0x11940] =	vst v63  }
0x172: {  	_ =	swait.ge [sflag:s9], $0x20  }
0x173: {  	[sflag:s9] =	ssyncset.done $0x0  }
0x174: {  	[sflag:s9] =	ssyncadd.s32 $0xFFFFFFE0  }
0x175: {  	s16 =	sadd.s32 s12, s16;
	[bflag:$0x0] =	sbarrier.arrive $0xFFFF  }
0x176: {  	[tilespmem:s13], [sflag:$0x1] =	stream.linear.gather [spmem:s16], $0x80, $0x38;
	[tilespmem:$0x11940] =	vst v63  }
0x177: {  	_ =	swait.ge [sflag:s9], $0x80  }
0x178: {  	[sflag:s9] =	ssyncset.done $0x0  }
0x179: {  	[sflag:s9] =	ssyncadd.s32 $0xFFFFFF80  }
0x17a: {  	v4 =	vld [tilespmem:$0x11090]  }
0x17b: {  	v5 =	vld [tilespmem:$0x11080]  }
0x17c: {  	v57 =	vld [tilespmem:$0x110B0]  }
0x17d: {  	v58 =	vld [tilespmem:$0x110A0];
	_ =	sdelay $0x2  }
0x17e: {  	v59 =	vld [tilespmem:$0x110D0]  }
0x17f: {  	v60 =	vld [tilespmem:$0x110C0]  }
0x180: {  	vm8 =	veq.s32 v57, v4;
	vm1 =	vlt.s32 v58, v5  }
0x181: {  	vm2 =	vgt.s32 v57, v4;
	vm0 =	vmand vm8, vm1  }
0x182: {  	v61 =	vld [tilespmem:$0x110F0];
	vm0 =	vmor vm2, vm0  }
0x183: {  	v62 =	vld [tilespmem:$0x110E0];
	v4 =	vsel vm0, v57, v4;
	v5 =	vsel vm0, v58, v5  }
0x184: {  	vm9 =	veq.s32 v59, v4;
	vm10 =	vlt.s32 v60, v5  }
0x185: {  	vm11 =	vgt.s32 v59, v4;
	vm0 =	vmand vm9, vm10  }
0x186: {  	vm0 =	vmor vm11, vm0  }
0x187: {  	v4 =	vsel vm0, v59, v4;
	v5 =	vsel vm0, v60, v5  }
0x188: {  	vm12 =	veq.s32 v61, v4;
	vm13 =	vlt.s32 v62, v5  }
0x189: {  	vm14 =	vgt.s32 v61, v4;
	vm0 =	vmand vm12, vm13  }
0x18a: {  	vm0 =	vmor vm14, vm0  }
0x18b: {  	v4 =	vsel vm0, v61, v4  }
0x18c: {  	v63 =	vxor.u32 $0x80000000, v4  }
0x18d: {  	(xrf0) =	vmax.scan.msk.u32 $0xffff, v63;
	_ =	sdelay $0x5  }
0x18e: {  	v7, _, _ =	vpop (xrf0)  }
0x18f: {  	(v2sf) =	vpush v7, $0xF;
	_ =	sdelay $0xe  }
0x190: {  	s30 =	spop (v2sf)  }
0x191: {  	v5 =	vsel vm0, v62, v5;
	s16 =	sxor.u32 $0x80000000, s30  }
0x192: {  	vm15 =	veq.s32 v4, s16;
	v4 =	vxor.u32 $0x80000000, v5  }
0x193: {  	v4 =	vnsel vm15, $0xC0000000, v4  }
0x194: {  	(xrf0) =	vmin.scan.msk.u32 $0xffff, v4;
	_ =	sdelay $0x5  }
0x195: {  	v4, _, _ =	vpop (xrf0)  }
0x196: {  	(v2sf) =	vpush v4, $0xF;
	_ =	sdelay $0x9  }
0x197: {  	s15 =	sadd.s32 $0x1, s15  }
0x198: {  	p1 =	sne.s32 s15, $0x800  }
.Ltmp1:
0x199: {  	_ = 	snop;
	(pc) =	sbr.rel @p1 .LBB2_2-.Ltmp1, $3  }
0x19a: {  	_ =	sdelay $0x1  }
0x19b: {  	s31 =	spop (v2sf)  }
0x19c: {  	s16 =	sxor.u32 $0x80000000, s31  }
0x19d: {  	s15 =	simm.s32 @!p0 $0x80  }
0x19e: {  	s16 =	simm.s32 @!p0 $0x400;
	s17 =	simm.s32 @!p0 $0x11100;
	s14 =	sadd.s32 $0x1, s14  }
0x19f: {  	[hbm4b:s5+s15] =	stream.strided.scatter @!p0 [tilespmem:s17], [sflag:$0x1], $0x800, s16, s15, $0x38;
	[tilespmem:$0x11940] =	vst v63  }
0x1a0: {  	p1 =	sne.s32 s14, s6  }
.Ltmp2:
0x1a1: {  	_ = 	snop;
	(pc) =	sbr.rel @p1 .LBB2_1-.Ltmp2, $4  }
0x1a2: {  	s15 =	simm.s32 @!p0 $0x1  }
0x1a3: {  	_ =	swait.ge @!p0 [sflag:s15], $0x800  }
0x1a4: {  	[sflag:s15] =	ssyncset.done @!p0 $0x0  }
0x1a5: {  	[sflag:s15] =	ssyncadd.s32 @!p0 $0xFFFFF800  }
0x1a6: {  	_ =	sfence.sel $0x180000  }
0x1a7: {  	[bflag:$0x0] =	sbarrier.arrive $0xFFFF  }
0x1a8: {  	p0 =	sne.s32 s1, $0x0;
	_ =	strace $0x90000047  }
0x1a9: {  	s0 =	sadd.s32 @!p0 $0x100000, s0;
	[bflag:$0x2] =	sbarrier.arrive $0xFFFF  }
0x1aa: {  	[sflag:s0] =	ssyncadd.tile.s32 @!p0 $0x1;
	_ =	shalt  }
.Lfunc_end2:
_tile_overlayer_lowered:
.L_overlay_start_2:
0x1ab: {  	(tag) =	ssettag $0x2  }
0x1ac: {  	s0 =	rddreg [dreg:$0x0];
	s2 =	stileid.u32  }
0x1ad: {  	s1 =	rddreg [dreg:$0x1];
	p0 =	sne.s32 s2, $0x0  }
0x1ae: {  	s3 =	rddreg [dreg:$0x2];
	[bflag:$0x3] =	sbarrier.arrive $0xFFFF;
	s2 =	simm.s32 @!p0 $0x1C01  }
0x1af: {  	[timem:s3], [sflag:s2] =	dma.local @!p0 [hbm:s0], s1  }
0x1b0: {  	s0 =	simm.s32 @!p0 $0x1  }
0x1b1: {  	_ =	swait.ge @!p0 [sflag:s0], s1  }
0x1b2: {  	s1 =	ssub.s32 @!p0 $0x0, s1;
	[sflag:s0] =	ssyncset.done @!p0 $0x0  }
0x1b3: {  	[sflag:s0] =	ssyncadd.s32 @!p0 s1  }
0x1b4: {  	[bflag:$0x3] =	sbarrier.arrive $0xFFFF  }
0x1b5: {  	_ =	shalt  }

</sc_bundles>
